<compile_context>
chip_gen: v7x
topology: tpu7x:2x2x1
jax: 0.10.2.dev20260603
libtpu: 0.0.44.dev20260713+nightly
codegen_flags: <defaults>
</compile_context>

<pallas_src>
import functools

import jax
import jax.numpy as jnp
from jax import lax
from jax.experimental import pallas as pl
from jax.experimental.pallas import tpu as pltpu
from jax.experimental.pallas import tpu_sc as plsc

_NC = 2
_NS = 16
_CHUNK = 512


def _sc_gather(table_hbm, idx_hbm, out_hbm, idx_v, rows_v, sem, *, per_w):
    wid = lax.axis_index("s") * _NC + lax.axis_index("c")
    base = wid * per_w
    for ci in range(per_w // _CHUNK):
        off = base + ci * _CHUNK
        pltpu.sync_copy(idx_hbm.at[pl.ds(off, _CHUNK)], idx_v)
        pltpu.async_copy(table_hbm.at[idx_v], rows_v, sem).wait()
        pltpu.sync_copy(rows_v, out_hbm.at[pl.ds(off, _CHUNK)])


def _base_lookup(logP0, x, T, N):
    lp_pad = jnp.pad(logP0, ((0, 0), (0, 128 - N)))
    per_w = T // (_NC * _NS)
    mesh = plsc.VectorSubcoreMesh(core_axis_name="c", subcore_axis_name="s")
    fn = functools.partial(
        pl.kernel,
        mesh=mesh,
        out_type=jax.ShapeDtypeStruct((T, 128), jnp.float32),
        scratch_types=[
            pltpu.VMEM((_CHUNK,), jnp.int32),
            pltpu.VMEM((_CHUNK, 128), jnp.float32),
            pltpu.SemaphoreType.DMA,
        ],
    )(functools.partial(_sc_gather, per_w=per_w))
    return fn(lp_pad, x)


def _tc_body(x_ref, ut_ref, base_ref, wm_ref, o_ref, *, TB, N, U, CH):
    for i in range(TB // CH):
        sl = pl.ds(i * CH, CH)
        x = x_ref[0, 0, sl]
        s_iota = jax.lax.broadcasted_iota(jnp.int32, (N, CH), 0)
        eq = s_iota == x[None, :]
        onehot_bf = jnp.where(eq, jnp.float32(1.0),
                              jnp.float32(0.0)).astype(jnp.bfloat16)
        ut_bf = ut_ref[:, sl]
        parts = [onehot_bf * ut_bf[d:d + 1, :] for d in range(U)]
        zt = jnp.concatenate(parts, axis=0)
        dn = (((0,), (0,)), ((), ()))
        stim = jax.lax.dot_general(zt, wm_ref[...], dn,
                                   preferred_element_type=jnp.float32)
        logits = stim + base_ref[sl, :][:, :N]
        m = jnp.max(logits, axis=1, keepdims=True)
        ex = jnp.exp(logits - m)
        lz = jnp.log(jnp.sum(ex, axis=1, keepdims=True)) + m
        o_ref[sl, :] = logits - lz


@functools.partial(jax.jit, static_argnames=("tb", "ch"))
def kernel(x_curr, u_curr, logP0, W, tb=4096, ch=2048):
    T = x_curr.shape[0]
    N = logP0.shape[0]
    U = u_curr.shape[1]
    x_i32 = x_curr.astype(jnp.int32)
    base = _base_lookup(logP0, x_i32, T, N)

    cols = jnp.arange(N)[None, :]
    srows = jnp.arange(N)[:, None]
    k = jnp.clip(cols - (cols > srows).astype(jnp.int32), 0, N - 2)
    W64 = jnp.take_along_axis(W, k[:, :, None], axis=1)
    W64 = jnp.where((cols == srows)[:, :, None], 0.0, W64)
    Wm = W64.transpose(2, 0, 1).reshape(U * N, N).astype(jnp.bfloat16)

    TB = tb
    NB = T // TB
    x3 = x_i32.reshape(NB, 1, TB)
    uT = u_curr.T.astype(jnp.bfloat16)
    out = pl.pallas_call(
        functools.partial(_tc_body, TB=TB, N=N, U=U, CH=ch),
        grid=(NB,),
        in_specs=[
            pl.BlockSpec((1, 1, TB), lambda i: (i, 0, 0)),
            pl.BlockSpec((U, TB), lambda i: (0, i)),
            pl.BlockSpec((TB, 128), lambda i: (i, 0)),
            pl.BlockSpec((U * N, N), lambda i: (0, 0)),
        ],
        out_specs=pl.BlockSpec((TB, N), lambda i: (i, 0)),
        out_shape=jax.ShapeDtypeStruct((T, N), jnp.float32),
        compiler_params=pltpu.CompilerParams(
            dimension_semantics=("arbitrary",),
        ),
    )(x3, uT, base, Wm)
    return out

# --- scband reference (transcript-rebuilt; emitter-appended) ---
"""Pipeline reference for scband-log-linear-markov-with-baseline-46694884442577 (READ-ONLY COPY).

The authoritative reference and input builder live on the scoring server;
editing this copy changes nothing except your own understanding.
"""

import jax, jax.numpy as jnp
import numpy as np

N = 64
U_DIM = 16
T = 262144


def setup_inputs(seed: int = 0) -> dict:
    key = jax.random.key(seed)
    k1, k2, k3, k4 = jax.random.split(key, 4)
    x_curr = jax.random.randint(k1, (T,), 0, N)
    u_curr = jax.random.normal(k2, (T, U_DIM), dtype=jnp.float32)
    P0 = jax.random.uniform(k3, (N, N), minval=1e-3, maxval=1.0)
    P0 = P0 / P0.sum(axis=1, keepdims=True)
    logP0 = jnp.log(P0).astype(jnp.float32)
    W = (jax.random.normal(k4, (N, N - 1, U_DIM)) * 0.01).astype(jnp.float32)
    return {"x_curr": x_curr, "u_curr": u_curr, "logP0": logP0, "W": W}


def reference(x_curr, u_curr, logP0, W):
    # Vectorized, faithful translation of transition_log_probs:
    # for each timestep t with current state s = x_curr[t]:
    #   logits = logP0[s]; logits[j != s] += W[s] @ u_curr[t]; log_probs = logits - logsumexp(logits)
    base = jnp.take(logP0, x_curr, axis=0)            # (T, N) embedding lookup of baseline rows
    Ws = jnp.take(W, x_curr, axis=0)                  # (T, N-1, U_DIM) gather of per-state weights
    stim = jnp.einsum('tkd,td->tk', Ws, u_curr)       # (T, N-1) stimulus logits
    cols = jnp.arange(N)[None, :]                     # (1, N)
    s = x_curr[:, None]                               # (T, 1)
    # map full column j to index into stim (which skips the self-transition column s)
    k = cols - (cols > s).astype(cols.dtype)
    k = jnp.clip(k, 0, N - 2)
    add = jnp.where(cols == s, jnp.float32(0.0), jnp.take_along_axis(stim, k, axis=1))
    logits = base + add                               # (T, N)
    logZ = jax.scipy.special.logsumexp(logits, axis=1, keepdims=True)
    return logits - logZ

if __name__ == "__main__":
    import jax
    _d = setup_inputs()
    print(jax.jit(kernel)(*tuple(_d.values())))

</pallas_src>

<mosaic_0001>
#map = affine_map<(d0, d1) -> (0, 0)>
#map1 = affine_map<(d0, d1) -> (0)>
module attributes {stable_mosaic.version = 14 : i64} {
  func.func @_sc_gather(%arg0: i32, %arg1: i32, %arg2: memref<64x128xf32, #tpu.memory_space<hbm>>, %arg3: memref<262144xi32, #tpu.memory_space<hbm>>, %arg4: memref<262144x128xf32, #tpu.memory_space<hbm>>, %arg5: memref<512xi32, #tpu.memory_space<vmem>>, %arg6: memref<512x128xf32, #tpu.memory_space<vmem>>, %arg7: memref<!tpu.dma_semaphore, #tpu.memory_space<semaphore_mem>>) attributes {dimension_semantics = [#tpu.dimension_semantics<core_parallel>, #tpu.dimension_semantics<subcore_parallel>], iteration_bounds = array<i64: 2, 16>, scalar_prefetch = 0 : i64, scratch_operands = 3 : i64, tpu.core_type = #tpu.core_type<sc_vector_subcore>, window_params = [{transform_indices = #map}, {transform_indices = #map1}, {transform_indices = #map}]} {
    %mul3A = arith.constant 2 : i32
    %mul3A_0 = arith.muli %arg1, %mul3A : i32
    %add3A = arith.addi %mul3A_0, %arg0 : i32
    %mul3A_1 = arith.constant 8192 : i32
    %mul3A_2 = arith.muli %add3A, %mul3A_1 : i32
    %add3A_3 = arith.constant 0 : i32
    %add3A_4 = arith.addi %mul3A_2, %add3A_3 : i32
    "tpu.region"() ({
      %run_scoped3A = tpu.sem_alloc : memref<!tpu.dma_semaphore, #tpu.memory_space<semaphore_mem>>
      %dma_start3A_129 = tpu.memref_slice %arg3[%add3A_4] : memref<262144xi32, #tpu.memory_space<hbm>> -> memref<512xi32, #tpu.memory_space<hbm>>
      %dma_start3A_130 = tpu.memref_slice %arg3[%add3A_4] : memref<262144xi32, #tpu.memory_space<hbm>> -> memref<512xi32, #tpu.memory_space<hbm>>
      tpu.enqueue_dma source(%dma_start3A_130 : memref<512xi32, #tpu.memory_space<hbm>>) target(%arg5 : memref<512xi32, #tpu.memory_space<vmem>>) target_semaphore(%run_scoped3A : memref<!tpu.dma_semaphore, #tpu.memory_space<semaphore_mem>>)
      %dma_wait3A_131 = tpu.memref_slice %arg3[%add3A_4] : memref<262144xi32, #tpu.memory_space<hbm>> -> memref<512xi32, #tpu.memory_space<hbm>>
      %dma_wait3A_132 = tpu.memref_slice %arg3[%add3A_4] : memref<262144xi32, #tpu.memory_space<hbm>> -> memref<512xi32, #tpu.memory_space<hbm>>
      tpu.wait_dma2 semaphore(%run_scoped3A : memref<!tpu.dma_semaphore, #tpu.memory_space<semaphore_mem>>) src(%dma_wait3A_132 : memref<512xi32, #tpu.memory_space<hbm>>) dst(%arg5 : memref<512xi32, #tpu.memory_space<vmem>>)
      tpu.yield
    }) : () -> ()
    %dma_start3A = arith.constant 0 : i32
    %dma_start3A_5 = arith.constant 0 : i32
    %dma_start3A_6 = tpu.memref_slice %arg2[%dma_start3A, %dma_start3A_5] : memref<64x128xf32, #tpu.memory_space<hbm>> -> memref<64x128xf32, #tpu.memory_space<hbm>>
    tpu.enqueue_indirect_dma source(%dma_start3A_6 : memref<64x128xf32, #tpu.memory_space<hbm>>) target(%arg6 : memref<512x128xf32, #tpu.memory_space<vmem>>) offsets(%arg5 : memref<512xi32, #tpu.memory_space<vmem>>) semaphore(%arg7 : memref<!tpu.dma_semaphore, #tpu.memory_space<semaphore_mem>>)
    %dma_wait3A = arith.constant 0 : i32
    %dma_wait3A_7 = arith.constant 0 : i32
    %dma_wait3A_8 = tpu.memref_slice %arg2[%dma_wait3A, %dma_wait3A_7] : memref<64x128xf32, #tpu.memory_space<hbm>> -> memref<64x128xf32, #tpu.memory_space<hbm>>
    tpu.wait_indirect_dma semaphore(%arg7 : memref<!tpu.dma_semaphore, #tpu.memory_space<semaphore_mem>>) src(%dma_wait3A_8 : memref<64x128xf32, #tpu.memory_space<hbm>>) dst(%arg6 : memref<512x128xf32, #tpu.memory_space<vmem>>)
    "tpu.region"() ({
      %run_scoped3A = tpu.sem_alloc : memref<!tpu.dma_semaphore, #tpu.memory_space<semaphore_mem>>
      %dma_start3A_129 = arith.constant 0 : i32
      %dma_start3A_130 = tpu.memref_slice %arg4[%add3A_4, %dma_start3A_129] : memref<262144x128xf32, #tpu.memory_space<hbm>> -> memref<512x128xf32, #tpu.memory_space<hbm>>
      %dma_start3A_131 = arith.constant 0 : i32
      %dma_start3A_132 = tpu.memref_slice %arg4[%add3A_4, %dma_start3A_131] : memref<262144x128xf32, #tpu.memory_space<hbm>> -> memref<512x128xf32, #tpu.memory_space<hbm>>
      tpu.enqueue_dma source(%arg6 : memref<512x128xf32, #tpu.memory_space<vmem>>) target(%dma_start3A_132 : memref<512x128xf32, #tpu.memory_space<hbm>>) target_semaphore(%run_scoped3A : memref<!tpu.dma_semaphore, #tpu.memory_space<semaphore_mem>>)
      %dma_wait3A_133 = arith.constant 0 : i32
      %dma_wait3A_134 = tpu.memref_slice %arg4[%add3A_4, %dma_wait3A_133] : memref<262144x128xf32, #tpu.memory_space<hbm>> -> memref<512x128xf32, #tpu.memory_space<hbm>>
      %dma_wait3A_135 = arith.constant 0 : i32
      %dma_wait3A_136 = tpu.memref_slice %arg4[%add3A_4, %dma_wait3A_135] : memref<262144x128xf32, #tpu.memory_space<hbm>> -> memref<512x128xf32, #tpu.memory_space<hbm>>
      tpu.wait_dma2 semaphore(%run_scoped3A : memref<!tpu.dma_semaphore, #tpu.memory_space<semaphore_mem>>) src(%arg6 : memref<512x128xf32, #tpu.memory_space<vmem>>) dst(%dma_wait3A_136 : memref<512x128xf32, #tpu.memory_space<hbm>>)
      tpu.yield
    }) : () -> ()
    %add3A_9 = arith.constant 512 : i32
    %add3A_10 = arith.addi %mul3A_2, %add3A_9 : i32
    "tpu.region"() ({
      %run_scoped3A = tpu.sem_alloc : memref<!tpu.dma_semaphore, #tpu.memory_space<semaphore_mem>>
      %dma_start3A_129 = tpu.memref_slice %arg3[%add3A_10] : memref<262144xi32, #tpu.memory_space<hbm>> -> memref<512xi32, #tpu.memory_space<hbm>>
      %dma_start3A_130 = tpu.memref_slice %arg3[%add3A_10] : memref<262144xi32, #tpu.memory_space<hbm>> -> memref<512xi32, #tpu.memory_space<hbm>>
      tpu.enqueue_dma source(%dma_start3A_130 : memref<512xi32, #tpu.memory_space<hbm>>) target(%arg5 : memref<512xi32, #tpu.memory_space<vmem>>) target_semaphore(%run_scoped3A : memref<!tpu.dma_semaphore, #tpu.memory_space<semaphore_mem>>)
      %dma_wait3A_131 = tpu.memref_slice %arg3[%add3A_10] : memref<262144xi32, #tpu.memory_space<hbm>> -> memref<512xi32, #tpu.memory_space<hbm>>
      %dma_wait3A_132 = tpu.memref_slice %arg3[%add3A_10] : memref<262144xi32, #tpu.memory_space<hbm>> -> memref<512xi32, #tpu.memory_space<hbm>>
      tpu.wait_dma2 semaphore(%run_scoped3A : memref<!tpu.dma_semaphore, #tpu.memory_space<semaphore_mem>>) src(%dma_wait3A_132 : memref<512xi32, #tpu.memory_space<hbm>>) dst(%arg5 : memref<512xi32, #tpu.memory_space<vmem>>)
      tpu.yield
    }) : () -> ()
    %dma_start3A_11 = arith.constant 0 : i32
    %dma_start3A_12 = arith.constant 0 : i32
    %dma_start3A_13 = tpu.memref_slice %arg2[%dma_start3A_11, %dma_start3A_12] : memref<64x128xf32, #tpu.memory_space<hbm>> -> memref<64x128xf32, #tpu.memory_space<hbm>>
    tpu.enqueue_indirect_dma source(%dma_start3A_13 : memref<64x128xf32, #tpu.memory_space<hbm>>) target(%arg6 : memref<512x128xf32, #tpu.memory_space<vmem>>) offsets(%arg5 : memref<512xi32, #tpu.memory_space<vmem>>) semaphore(%arg7 : memref<!tpu.dma_semaphore, #tpu.memory_space<semaphore_mem>>)
    %dma_wait3A_14 = arith.constant 0 : i32
    %dma_wait3A_15 = arith.constant 0 : i32
    %dma_wait3A_16 = tpu.memref_slice %arg2[%dma_wait3A_14, %dma_wait3A_15] : memref<64x128xf32, #tpu.memory_space<hbm>> -> memref<64x128xf32, #tpu.memory_space<hbm>>
    tpu.wait_indirect_dma semaphore(%arg7 : memref<!tpu.dma_semaphore, #tpu.memory_space<semaphore_mem>>) src(%dma_wait3A_16 : memref<64x128xf32, #tpu.memory_space<hbm>>) dst(%arg6 : memref<512x128xf32, #tpu.memory_space<vmem>>)
    "tpu.region"() ({
      %run_scoped3A = tpu.sem_alloc : memref<!tpu.dma_semaphore, #tpu.memory_space<semaphore_mem>>
      %dma_start3A_129 = arith.constant 0 : i32
      %dma_start3A_130 = tpu.memref_slice %arg4[%add3A_10, %dma_start3A_129] : memref<262144x128xf32, #tpu.memory_space<hbm>> -> memref<512x128xf32, #tpu.memory_space<hbm>>
      %dma_start3A_131 = arith.constant 0 : i32
      %dma_start3A_132 = tpu.memref_slice %arg4[%add3A_10, %dma_start3A_131] : memref<262144x128xf32, #tpu.memory_space<hbm>> -> memref<512x128xf32, #tpu.memory_space<hbm>>
      tpu.enqueue_dma source(%arg6 : memref<512x128xf32, #tpu.memory_space<vmem>>) target(%dma_start3A_132 : memref<512x128xf32, #tpu.memory_space<hbm>>) target_semaphore(%run_scoped3A : memref<!tpu.dma_semaphore, #tpu.memory_space<semaphore_mem>>)
      %dma_wait3A_133 = arith.constant 0 : i32
      %dma_wait3A_134 = tpu.memref_slice %arg4[%add3A_10, %dma_wait3A_133] : memref<262144x128xf32, #tpu.memory_space<hbm>> -> memref<512x128xf32, #tpu.memory_space<hbm>>
      %dma_wait3A_135 = arith.constant 0 : i32
      %dma_wait3A_136 = tpu.memref_slice %arg4[%add3A_10, %dma_wait3A_135] : memref<262144x128xf32, #tpu.memory_space<hbm>> -> memref<512x128xf32, #tpu.memory_space<hbm>>
      tpu.wait_dma2 semaphore(%run_scoped3A : memref<!tpu.dma_semaphore, #tpu.memory_space<semaphore_mem>>) src(%arg6 : memref<512x128xf32, #tpu.memory_space<vmem>>) dst(%dma_wait3A_136 : memref<512x128xf32, #tpu.memory_space<hbm>>)
      tpu.yield
    }) : () -> ()
    %add3A_17 = arith.constant 1024 : i32
    %add3A_18 = arith.addi %mul3A_2, %add3A_17 : i32
    "tpu.region"() ({
      %run_scoped3A = tpu.sem_alloc : memref<!tpu.dma_semaphore, #tpu.memory_space<semaphore_mem>>
      %dma_start3A_129 = tpu.memref_slice %arg3[%add3A_18] : memref<262144xi32, #tpu.memory_space<hbm>> -> memref<512xi32, #tpu.memory_space<hbm>>
      %dma_start3A_130 = tpu.memref_slice %arg3[%add3A_18] : memref<262144xi32, #tpu.memory_space<hbm>> -> memref<512xi32, #tpu.memory_space<hbm>>
      tpu.enqueue_dma source(%dma_start3A_130 : memref<512xi32, #tpu.memory_space<hbm>>) target(%arg5 : memref<512xi32, #tpu.memory_space<vmem>>) target_semaphore(%run_scoped3A : memref<!tpu.dma_semaphore, #tpu.memory_space<semaphore_mem>>)
      %dma_wait3A_131 = tpu.memref_slice %arg3[%add3A_18] : memref<262144xi32, #tpu.memory_space<hbm>> -> memref<512xi32, #tpu.memory_space<hbm>>
      %dma_wait3A_132 = tpu.memref_slice %arg3[%add3A_18] : memref<262144xi32, #tpu.memory_space<hbm>> -> memref<512xi32, #tpu.memory_space<hbm>>
      tpu.wait_dma2 semaphore(%run_scoped3A : memref<!tpu.dma_semaphore, #tpu.memory_space<semaphore_mem>>) src(%dma_wait3A_132 : memref<512xi32, #tpu.memory_space<hbm>>) dst(%arg5 : memref<512xi32, #tpu.memory_space<vmem>>)
      tpu.yield
    }) : () -> ()
    %dma_start3A_19 = arith.constant 0 : i32
    %dma_start3A_20 = arith.constant 0 : i32
    %dma_start3A_21 = tpu.memref_slice %arg2[%dma_start3A_19, %dma_start3A_20] : memref<64x128xf32, #tpu.memory_space<hbm>> -> memref<64x128xf32, #tpu.memory_space<hbm>>
    tpu.enqueue_indirect_dma source(%dma_start3A_21 : memref<64x128xf32, #tpu.memory_space<hbm>>) target(%arg6 : memref<512x128xf32, #tpu.memory_space<vmem>>) offsets(%arg5 : memref<512xi32, #tpu.memory_space<vmem>>) semaphore(%arg7 : memref<!tpu.dma_semaphore, #tpu.memory_space<semaphore_mem>>)
    %dma_wait3A_22 = arith.constant 0 : i32
    %dma_wait3A_23 = arith.constant 0 : i32
    %dma_wait3A_24 = tpu.memref_slice %arg2[%dma_wait3A_22, %dma_wait3A_23] : memref<64x128xf32, #tpu.memory_space<hbm>> -> memref<64x128xf32, #tpu.memory_space<hbm>>
    tpu.wait_indirect_dma semaphore(%arg7 : memref<!tpu.dma_semaphore, #tpu.memory_space<semaphore_mem>>) src(%dma_wait3A_24 : memref<64x128xf32, #tpu.memory_space<hbm>>) dst(%arg6 : memref<512x128xf32, #tpu.memory_space<vmem>>)
    "tpu.region"() ({
      %run_scoped3A = tpu.sem_alloc : memref<!tpu.dma_semaphore, #tpu.memory_space<semaphore_mem>>
      %dma_start3A_129 = arith.constant 0 : i32
      %dma_start3A_130 = tpu.memref_slice %arg4[%add3A_18, %dma_start3A_129] : memref<262144x128xf32, #tpu.memory_space<hbm>> -> memref<512x128xf32, #tpu.memory_space<hbm>>
      %dma_start3A_131 = arith.constant 0 : i32
      %dma_start3A_132 = tpu.memref_slice %arg4[%add3A_18, %dma_start3A_131] : memref<262144x128xf32, #tpu.memory_space<hbm>> -> memref<512x128xf32, #tpu.memory_space<hbm>>
      tpu.enqueue_dma source(%arg6 : memref<512x128xf32, #tpu.memory_space<vmem>>) target(%dma_start3A_132 : memref<512x128xf32, #tpu.memory_space<hbm>>) target_semaphore(%run_scoped3A : memref<!tpu.dma_semaphore, #tpu.memory_space<semaphore_mem>>)
      %dma_wait3A_133 = arith.constant 0 : i32
      %dma_wait3A_134 = tpu.memref_slice %arg4[%add3A_18, %dma_wait3A_133] : memref<262144x128xf32, #tpu.memory_space<hbm>> -> memref<512x128xf32, #tpu.memory_space<hbm>>
      %dma_wait3A_135 = arith.constant 0 : i32
      %dma_wait3A_136 = tpu.memref_slice %arg4[%add3A_18, %dma_wait3A_135] : memref<262144x128xf32, #tpu.memory_space<hbm>> -> memref<512x128xf32, #tpu.memory_space<hbm>>
      tpu.wait_dma2 semaphore(%run_scoped3A : memref<!tpu.dma_semaphore, #tpu.memory_space<semaphore_mem>>) src(%arg6 : memref<512x128xf32, #tpu.memory_space<vmem>>) dst(%dma_wait3A_136 : memref<512x128xf32, #tpu.memory_space<hbm>>)
      tpu.yield
    }) : () -> ()
    %add3A_25 = arith.constant 1536 : i32
    %add3A_26 = arith.addi %mul3A_2, %add3A_25 : i32
    "tpu.region"() ({
      %run_scoped3A = tpu.sem_alloc : memref<!tpu.dma_semaphore, #tpu.memory_space<semaphore_mem>>
      %dma_start3A_129 = tpu.memref_slice %arg3[%add3A_26] : memref<262144xi32, #tpu.memory_space<hbm>> -> memref<512xi32, #tpu.memory_space<hbm>>
      %dma_start3A_130 = tpu.memref_slice %arg3[%add3A_26] : memref<262144xi32, #tpu.memory_space<hbm>> -> memref<512xi32, #tpu.memory_space<hbm>>
      tpu.enqueue_dma source(%dma_start3A_130 : memref<512xi32, #tpu.memory_space<hbm>>) target(%arg5 : memref<512xi32, #tpu.memory_space<vmem>>) target_semaphore(%run_scoped3A : memref<!tpu.dma_semaphore, #tpu.memory_space<semaphore_mem>>)
      %dma_wait3A_131 = tpu.memref_slice %arg3[%add3A_26] : memref<262144xi32, #tpu.memory_space<hbm>> -> memref<512xi32, #tpu.memory_space<hbm>>
      %dma_wait3A_132 = tpu.memref_slice %arg3[%add3A_26] : memref<262144xi32, #tpu.memory_space<hbm>> -> memref<512xi32, #tpu.memory_space<hbm>>
      tpu.wait_dma2 semaphore(%run_scoped3A : memref<!tpu.dma_semaphore, #tpu.memory_space<semaphore_mem>>) src(%dma_wait3A_132 : memref<512xi32, #tpu.memory_space<hbm>>) dst(%arg5 : memref<512xi32, #tpu.memory_space<vmem>>)
      tpu.yield
    }) : () -> ()
    %dma_start3A_27 = arith.constant 0 : i32
    %dma_start3A_28 = arith.constant 0 : i32
    %dma_start3A_29 = tpu.memref_slice %arg2[%dma_start3A_27, %dma_start3A_28] : memref<64x128xf32, #tpu.memory_space<hbm>> -> memref<64x128xf32, #tpu.memory_space<hbm>>
    tpu.enqueue_indirect_dma source(%dma_start3A_29 : memref<64x128xf32, #tpu.memory_space<hbm>>) target(%arg6 : memref<512x128xf32, #tpu.memory_space<vmem>>) offsets(%arg5 : memref<512xi32, #tpu.memory_space<vmem>>) semaphore(%arg7 : memref<!tpu.dma_semaphore, #tpu.memory_space<semaphore_mem>>)
    %dma_wait3A_30 = arith.constant 0 : i32
    %dma_wait3A_31 = arith.constant 0 : i32
    %dma_wait3A_32 = tpu.memref_slice %arg2[%dma_wait3A_30, %dma_wait3A_31] : memref<64x128xf32, #tpu.memory_space<hbm>> -> memref<64x128xf32, #tpu.memory_space<hbm>>
    tpu.wait_indirect_dma semaphore(%arg7 : memref<!tpu.dma_semaphore, #tpu.memory_space<semaphore_mem>>) src(%dma_wait3A_32 : memref<64x128xf32, #tpu.memory_space<hbm>>) dst(%arg6 : memref<512x128xf32, #tpu.memory_space<vmem>>)
    "tpu.region"() ({
      %run_scoped3A = tpu.sem_alloc : memref<!tpu.dma_semaphore, #tpu.memory_space<semaphore_mem>>
      %dma_start3A_129 = arith.constant 0 : i32
      %dma_start3A_130 = tpu.memref_slice %arg4[%add3A_26, %dma_start3A_129] : memref<262144x128xf32, #tpu.memory_space<hbm>> -> memref<512x128xf32, #tpu.memory_space<hbm>>
      %dma_start3A_131 = arith.constant 0 : i32
      %dma_start3A_132 = tpu.memref_slice %arg4[%add3A_26, %dma_start3A_131] : memref<262144x128xf32, #tpu.memory_space<hbm>> -> memref<512x128xf32, #tpu.memory_space<hbm>>
      tpu.enqueue_dma source(%arg6 : memref<512x128xf32, #tpu.memory_space<vmem>>) target(%dma_start3A_132 : memref<512x128xf32, #tpu.memory_space<hbm>>) target_semaphore(%run_scoped3A : memref<!tpu.dma_semaphore, #tpu.memory_space<semaphore_mem>>)
      %dma_wait3A_133 = arith.constant 0 : i32
      %dma_wait3A_134 = tpu.memref_slice %arg4[%add3A_26, %dma_wait3A_133] : memref<262144x128xf32, #tpu.memory_space<hbm>> -> memref<512x128xf32, #tpu.memory_space<hbm>>
      %dma_wait3A_135 = arith.constant 0 : i32
      %dma_wait3A_136 = tpu.memref_slice %arg4[%add3A_26, %dma_wait3A_135] : memref<262144x128xf32, #tpu.memory_space<hbm>> -> memref<512x128xf32, #tpu.memory_space<hbm>>
      tpu.wait_dma2 semaphore(%run_scoped3A : memref<!tpu.dma_semaphore, #tpu.memory_space<semaphore_mem>>) src(%arg6 : memref<512x128xf32, #tpu.memory_space<vmem>>) dst(%dma_wait3A_136 : memref<512x128xf32, #tpu.memory_space<hbm>>)
      tpu.yield
    }) : () -> ()
    %add3A_33 = arith.constant 2048 : i32
    %add3A_34 = arith.addi %mul3A_2, %add3A_33 : i32
    "tpu.region"() ({
      %run_scoped3A = tpu.sem_alloc : memref<!tpu.dma_semaphore, #tpu.memory_space<semaphore_mem>>
      %dma_start3A_129 = tpu.memref_slice %arg3[%add3A_34] : memref<262144xi32, #tpu.memory_space<hbm>> -> memref<512xi32, #tpu.memory_space<hbm>>
      %dma_start3A_130 = tpu.memref_slice %arg3[%add3A_34] : memref<262144xi32, #tpu.memory_space<hbm>> -> memref<512xi32, #tpu.memory_space<hbm>>
      tpu.enqueue_dma source(%dma_start3A_130 : memref<512xi32, #tpu.memory_space<hbm>>) target(%arg5 : memref<512xi32, #tpu.memory_space<vmem>>) target_semaphore(%run_scoped3A : memref<!tpu.dma_semaphore, #tpu.memory_space<semaphore_mem>>)
      %dma_wait3A_131 = tpu.memref_slice %arg3[%add3A_34] : memref<262144xi32, #tpu.memory_space<hbm>> -> memref<512xi32, #tpu.memory_space<hbm>>
      %dma_wait3A_132 = tpu.memref_slice %arg3[%add3A_34] : memref<262144xi32, #tpu.memory_space<hbm>> -> memref<512xi32, #tpu.memory_space<hbm>>
      tpu.wait_dma2 semaphore(%run_scoped3A : memref<!tpu.dma_semaphore, #tpu.memory_space<semaphore_mem>>) src(%dma_wait3A_132 : memref<512xi32, #tpu.memory_space<hbm>>) dst(%arg5 : memref<512xi32, #tpu.memory_space<vmem>>)
      tpu.yield
    }) : () -> ()
    %dma_start3A_35 = arith.constant 0 : i32
    %dma_start3A_36 = arith.constant 0 : i32
    %dma_start3A_37 = tpu.memref_slice %arg2[%dma_start3A_35, %dma_start3A_36] : memref<64x128xf32, #tpu.memory_space<hbm>> -> memref<64x128xf32, #tpu.memory_space<hbm>>
    tpu.enqueue_indirect_dma source(%dma_start3A_37 : memref<64x128xf32, #tpu.memory_space<hbm>>) target(%arg6 : memref<512x128xf32, #tpu.memory_space<vmem>>) offsets(%arg5 : memref<512xi32, #tpu.memory_space<vmem>>) semaphore(%arg7 : memref<!tpu.dma_semaphore, #tpu.memory_space<semaphore_mem>>)
    %dma_wait3A_38 = arith.constant 0 : i32
    %dma_wait3A_39 = arith.constant 0 : i32
    %dma_wait3A_40 = tpu.memref_slice %arg2[%dma_wait3A_38, %dma_wait3A_39] : memref<64x128xf32, #tpu.memory_space<hbm>> -> memref<64x128xf32, #tpu.memory_space<hbm>>
    tpu.wait_indirect_dma semaphore(%arg7 : memref<!tpu.dma_semaphore, #tpu.memory_space<semaphore_mem>>) src(%dma_wait3A_40 : memref<64x128xf32, #tpu.memory_space<hbm>>) dst(%arg6 : memref<512x128xf32, #tpu.memory_space<vmem>>)
    "tpu.region"() ({
      %run_scoped3A = tpu.sem_alloc : memref<!tpu.dma_semaphore, #tpu.memory_space<semaphore_mem>>
      %dma_start3A_129 = arith.constant 0 : i32
      %dma_start3A_130 = tpu.memref_slice %arg4[%add3A_34, %dma_start3A_129] : memref<262144x128xf32, #tpu.memory_space<hbm>> -> memref<512x128xf32, #tpu.memory_space<hbm>>
      %dma_start3A_131 = arith.constant 0 : i32
      %dma_start3A_132 = tpu.memref_slice %arg4[%add3A_34, %dma_start3A_131] : memref<262144x128xf32, #tpu.memory_space<hbm>> -> memref<512x128xf32, #tpu.memory_space<hbm>>
      tpu.enqueue_dma source(%arg6 : memref<512x128xf32, #tpu.memory_space<vmem>>) target(%dma_start3A_132 : memref<512x128xf32, #tpu.memory_space<hbm>>) target_semaphore(%run_scoped3A : memref<!tpu.dma_semaphore, #tpu.memory_space<semaphore_mem>>)
      %dma_wait3A_133 = arith.constant 0 : i32
      %dma_wait3A_134 = tpu.memref_slice %arg4[%add3A_34, %dma_wait3A_133] : memref<262144x128xf32, #tpu.memory_space<hbm>> -> memref<512x128xf32, #tpu.memory_space<hbm>>
      %dma_wait3A_135 = arith.constant 0 : i32
      %dma_wait3A_136 = tpu.memref_slice %arg4[%add3A_34, %dma_wait3A_135] : memref<262144x128xf32, #tpu.memory_space<hbm>> -> memref<512x128xf32, #tpu.memory_space<hbm>>
      tpu.wait_dma2 semaphore(%run_scoped3A : memref<!tpu.dma_semaphore, #tpu.memory_space<semaphore_mem>>) src(%arg6 : memref<512x128xf32, #tpu.memory_space<vmem>>) dst(%dma_wait3A_136 : memref<512x128xf32, #tpu.memory_space<hbm>>)
      tpu.yield
    }) : () -> ()
    %add3A_41 = arith.constant 2560 : i32
    %add3A_42 = arith.addi %mul3A_2, %add3A_41 : i32
    "tpu.region"() ({
      %run_scoped3A = tpu.sem_alloc : memref<!tpu.dma_semaphore, #tpu.memory_space<semaphore_mem>>
      %dma_start3A_129 = tpu.memref_slice %arg3[%add3A_42] : memref<262144xi32, #tpu.memory_space<hbm>> -> memref<512xi32, #tpu.memory_space<hbm>>
      %dma_start3A_130 = tpu.memref_slice %arg3[%add3A_42] : memref<262144xi32, #tpu.memory_space<hbm>> -> memref<512xi32, #tpu.memory_space<hbm>>
      tpu.enqueue_dma source(%dma_start3A_130 : memref<512xi32, #tpu.memory_space<hbm>>) target(%arg5 : memref<512xi32, #tpu.memory_space<vmem>>) target_semaphore(%run_scoped3A : memref<!tpu.dma_semaphore, #tpu.memory_space<semaphore_mem>>)
      %dma_wait3A_131 = tpu.memref_slice %arg3[%add3A_42] : memref<262144xi32, #tpu.memory_space<hbm>> -> memref<512xi32, #tpu.memory_space<hbm>>
      %dma_wait3A_132 = tpu.memref_slice %arg3[%add3A_42] : memref<262144xi32, #tpu.memory_space<hbm>> -> memref<512xi32, #tpu.memory_space<hbm>>
      tpu.wait_dma2 semaphore(%run_scoped3A : memref<!tpu.dma_semaphore, #tpu.memory_space<semaphore_mem>>) src(%dma_wait3A_132 : memref<512xi32, #tpu.memory_space<hbm>>) dst(%arg5 : memref<512xi32, #tpu.memory_space<vmem>>)
      tpu.yield
    }) : () -> ()
    %dma_start3A_43 = arith.constant 0 : i32
    %dma_start3A_44 = arith.constant 0 : i32
    %dma_start3A_45 = tpu.memref_slice %arg2[%dma_start3A_43, %dma_start3A_44] : memref<64x128xf32, #tpu.memory_space<hbm>> -> memref<64x128xf32, #tpu.memory_space<hbm>>
    tpu.enqueue_indirect_dma source(%dma_start3A_45 : memref<64x128xf32, #tpu.memory_space<hbm>>) target(%arg6 : memref<512x128xf32, #tpu.memory_space<vmem>>) offsets(%arg5 : memref<512xi32, #tpu.memory_space<vmem>>) semaphore(%arg7 : memref<!tpu.dma_semaphore, #tpu.memory_space<semaphore_mem>>)
    %dma_wait3A_46 = arith.constant 0 : i32
    %dma_wait3A_47 = arith.constant 0 : i32
    %dma_wait3A_48 = tpu.memref_slice %arg2[%dma_wait3A_46, %dma_wait3A_47] : memref<64x128xf32, #tpu.memory_space<hbm>> -> memref<64x128xf32, #tpu.memory_space<hbm>>
    tpu.wait_indirect_dma semaphore(%arg7 : memref<!tpu.dma_semaphore, #tpu.memory_space<semaphore_mem>>) src(%dma_wait3A_48 : memref<64x128xf32, #tpu.memory_space<hbm>>) dst(%arg6 : memref<512x128xf32, #tpu.memory_space<vmem>>)
    "tpu.region"() ({
      %run_scoped3A = tpu.sem_alloc : memref<!tpu.dma_semaphore, #tpu.memory_space<semaphore_mem>>
      %dma_start3A_129 = arith.constant 0 : i32
      %dma_start3A_130 = tpu.memref_slice %arg4[%add3A_42, %dma_start3A_129] : memref<262144x128xf32, #tpu.memory_space<hbm>> -> memref<512x128xf32, #tpu.memory_space<hbm>>
      %dma_start3A_131 = arith.constant 0 : i32
      %dma_start3A_132 = tpu.memref_slice %arg4[%add3A_42, %dma_start3A_131] : memref<262144x128xf32, #tpu.memory_space<hbm>> -> memref<512x128xf32, #tpu.memory_space<hbm>>
      tpu.enqueue_dma source(%arg6 : memref<512x128xf32, #tpu.memory_space<vmem>>) target(%dma_start3A_132 : memref<512x128xf32, #tpu.memory_space<hbm>>) target_semaphore(%run_scoped3A : memref<!tpu.dma_semaphore, #tpu.memory_space<semaphore_mem>>)
      %dma_wait3A_133 = arith.constant 0 : i32
      %dma_wait3A_134 = tpu.memref_slice %arg4[%add3A_42, %dma_wait3A_133] : memref<262144x128xf32, #tpu.memory_space<hbm>> -> memref<512x128xf32, #tpu.memory_space<hbm>>
      %dma_wait3A_135 = arith.constant 0 : i32
      %dma_wait3A_136 = tpu.memref_slice %arg4[%add3A_42, %dma_wait3A_135] : memref<262144x128xf32, #tpu.memory_space<hbm>> -> memref<512x128xf32, #tpu.memory_space<hbm>>
      tpu.wait_dma2 semaphore(%run_scoped3A : memref<!tpu.dma_semaphore, #tpu.memory_space<semaphore_mem>>) src(%arg6 : memref<512x128xf32, #tpu.memory_space<vmem>>) dst(%dma_wait3A_136 : memref<512x128xf32, #tpu.memory_space<hbm>>)
      tpu.yield
    }) : () -> ()
    %add3A_49 = arith.constant 3072 : i32
    %add3A_50 = arith.addi %mul3A_2, %add3A_49 : i32
    "tpu.region"() ({
      %run_scoped3A = tpu.sem_alloc : memref<!tpu.dma_semaphore, #tpu.memory_space<semaphore_mem>>
      %dma_start3A_129 = tpu.memref_slice %arg3[%add3A_50] : memref<262144xi32, #tpu.memory_space<hbm>> -> memref<512xi32, #tpu.memory_space<hbm>>
      %dma_start3A_130 = tpu.memref_slice %arg3[%add3A_50] : memref<262144xi32, #tpu.memory_space<hbm>> -> memref<512xi32, #tpu.memory_space<hbm>>
      tpu.enqueue_dma source(%dma_start3A_130 : memref<512xi32, #tpu.memory_space<hbm>>) target(%arg5 : memref<512xi32, #tpu.memory_space<vmem>>) target_semaphore(%run_scoped3A : memref<!tpu.dma_semaphore, #tpu.memory_space<semaphore_mem>>)
      %dma_wait3A_131 = tpu.memref_slice %arg3[%add3A_50] : memref<262144xi32, #tpu.memory_space<hbm>> -> memref<512xi32, #tpu.memory_space<hbm>>
      %dma_wait3A_132 = tpu.memref_slice %arg3[%add3A_50] : memref<262144xi32, #tpu.memory_space<hbm>> -> memref<512xi32, #tpu.memory_space<hbm>>
      tpu.wait_dma2 semaphore(%run_scoped3A : memref<!tpu.dma_semaphore, #tpu.memory_space<semaphore_mem>>) src(%dma_wait3A_132 : memref<512xi32, #tpu.memory_space<hbm>>) dst(%arg5 : memref<512xi32, #tpu.memory_space<vmem>>)
      tpu.yield
    }) : () -> ()
    %dma_start3A_51 = arith.constant 0 : i32
    %dma_start3A_52 = arith.constant 0 : i32
    %dma_start3A_53 = tpu.memref_slice %arg2[%dma_start3A_51, %dma_start3A_52] : memref<64x128xf32, #tpu.memory_space<hbm>> -> memref<64x128xf32, #tpu.memory_space<hbm>>
    tpu.enqueue_indirect_dma source(%dma_start3A_53 : memref<64x128xf32, #tpu.memory_space<hbm>>) target(%arg6 : memref<512x128xf32, #tpu.memory_space<vmem>>) offsets(%arg5 : memref<512xi32, #tpu.memory_space<vmem>>) semaphore(%arg7 : memref<!tpu.dma_semaphore, #tpu.memory_space<semaphore_mem>>)
    %dma_wait3A_54 = arith.constant 0 : i32
    %dma_wait3A_55 = arith.constant 0 : i32
    %dma_wait3A_56 = tpu.memref_slice %arg2[%dma_wait3A_54, %dma_wait3A_55] : memref<64x128xf32, #tpu.memory_space<hbm>> -> memref<64x128xf32, #tpu.memory_space<hbm>>
    tpu.wait_indirect_dma semaphore(%arg7 : memref<!tpu.dma_semaphore, #tpu.memory_space<semaphore_mem>>) src(%dma_wait3A_56 : memref<64x128xf32, #tpu.memory_space<hbm>>) dst(%arg6 : memref<512x128xf32, #tpu.memory_space<vmem>>)
    "tpu.region"() ({
      %run_scoped3A = tpu.sem_alloc : memref<!tpu.dma_semaphore, #tpu.memory_space<semaphore_mem>>
      %dma_start3A_129 = arith.constant 0 : i32
      %dma_start3A_130 = tpu.memref_slice %arg4[%add3A_50, %dma_start3A_129] : memref<262144x128xf32, #tpu.memory_space<hbm>> -> memref<512x128xf32, #tpu.memory_space<hbm>>
      %dma_start3A_131 = arith.constant 0 : i32
      %dma_start3A_132 = tpu.memref_slice %arg4[%add3A_50, %dma_start3A_131] : memref<262144x128xf32, #tpu.memory_space<hbm>> -> memref<512x128xf32, #tpu.memory_space<hbm>>
      tpu.enqueue_dma source(%arg6 : memref<512x128xf32, #tpu.memory_space<vmem>>) target(%dma_start3A_132 : memref<512x128xf32, #tpu.memory_space<hbm>>) target_semaphore(%run_scoped3A : memref<!tpu.dma_semaphore, #tpu.memory_space<semaphore_mem>>)
      %dma_wait3A_133 = arith.constant 0 : i32
      %dma_wait3A_134 = tpu.memref_slice %arg4[%add3A_50, %dma_wait3A_133] : memref<262144x128xf32, #tpu.memory_space<hbm>> -> memref<512x128xf32, #tpu.memory_space<hbm>>
      %dma_wait3A_135 = arith.constant 0 : i32
      %dma_wait3A_136 = tpu.memref_slice %arg4[%add3A_50, %dma_wait3A_135] : memref<262144x128xf32, #tpu.memory_space<hbm>> -> memref<512x128xf32, #tpu.memory_space<hbm>>
      tpu.wait_dma2 semaphore(%run_scoped3A : memref<!tpu.dma_semaphore, #tpu.memory_space<semaphore_mem>>) src(%arg6 : memref<512x128xf32, #tpu.memory_space<vmem>>) dst(%dma_wait3A_136 : memref<512x128xf32, #tpu.memory_space<hbm>>)
      tpu.yield
    }) : () -> ()
    %add3A_57 = arith.constant 3584 : i32
    %add3A_58 = arith.addi %mul3A_2, %add3A_57 : i32
    "tpu.region"() ({
      %run_scoped3A = tpu.sem_alloc : memref<!tpu.dma_semaphore, #tpu.memory_space<semaphore_mem>>
      %dma_start3A_129 = tpu.memref_slice %arg3[%add3A_58] : memref<262144xi32, #tpu.memory_space<hbm>> -> memref<512xi32, #tpu.memory_space<hbm>>
      %dma_start3A_130 = tpu.memref_slice %arg3[%add3A_58] : memref<262144xi32, #tpu.memory_space<hbm>> -> memref<512xi32, #tpu.memory_space<hbm>>
      tpu.enqueue_dma source(%dma_start3A_130 : memref<512xi32, #tpu.memory_space<hbm>>) target(%arg5 : memref<512xi32, #tpu.memory_space<vmem>>) target_semaphore(%run_scoped3A : memref<!tpu.dma_semaphore, #tpu.memory_space<semaphore_mem>>)
      %dma_wait3A_131 = tpu.memref_slice %arg3[%add3A_58] : memref<262144xi32, #tpu.memory_space<hbm>> -> memref<512xi32, #tpu.memory_space<hbm>>
      %dma_wait3A_132 = tpu.memref_slice %arg3[%add3A_58] : memref<262144xi32, #tpu.memory_space<hbm>> -> memref<512xi32, #tpu.memory_space<hbm>>
      tpu.wait_dma2 semaphore(%run_scoped3A : memref<!tpu.dma_semaphore, #tpu.memory_space<semaphore_mem>>) src(%dma_wait3A_132 : memref<512xi32, #tpu.memory_space<hbm>>) dst(%arg5 : memref<512xi32, #tpu.memory_space<vmem>>)
      tpu.yield
    }) : () -> ()
    %dma_start3A_59 = arith.constant 0 : i32
    %dma_start3A_60 = arith.constant 0 : i32
    %dma_start3A_61 = tpu.memref_slice %arg2[%dma_start3A_59, %dma_start3A_60] : memref<64x128xf32, #tpu.memory_space<hbm>> -> memref<64x128xf32, #tpu.memory_space<hbm>>
    tpu.enqueue_indirect_dma source(%dma_start3A_61 : memref<64x128xf32, #tpu.memory_space<hbm>>) target(%arg6 : memref<512x128xf32, #tpu.memory_space<vmem>>) offsets(%arg5 : memref<512xi32, #tpu.memory_space<vmem>>) semaphore(%arg7 : memref<!tpu.dma_semaphore, #tpu.memory_space<semaphore_mem>>)
    %dma_wait3A_62 = arith.constant 0 : i32
    %dma_wait3A_63 = arith.constant 0 : i32
    %dma_wait3A_64 = tpu.memref_slice %arg2[%dma_wait3A_62, %dma_wait3A_63] : memref<64x128xf32, #tpu.memory_space<hbm>> -> memref<64x128xf32, #tpu.memory_space<hbm>>
    tpu.wait_indirect_dma semaphore(%arg7 : memref<!tpu.dma_semaphore, #tpu.memory_space<semaphore_mem>>) src(%dma_wait3A_64 : memref<64x128xf32, #tpu.memory_space<hbm>>) dst(%arg6 : memref<512x128xf32, #tpu.memory_space<vmem>>)
    "tpu.region"() ({
      %run_scoped3A = tpu.sem_alloc : memref<!tpu.dma_semaphore, #tpu.memory_space<semaphore_mem>>
      %dma_start3A_129 = arith.constant 0 : i32
      %dma_start3A_130 = tpu.memref_slice %arg4[%add3A_58, %dma_start3A_129] : memref<262144x128xf32, #tpu.memory_space<hbm>> -> memref<512x128xf32, #tpu.memory_space<hbm>>
      %dma_start3A_131 = arith.constant 0 : i32
      %dma_start3A_132 = tpu.memref_slice %arg4[%add3A_58, %dma_start3A_131] : memref<262144x128xf32, #tpu.memory_space<hbm>> -> memref<512x128xf32, #tpu.memory_space<hbm>>
      tpu.enqueue_dma source(%arg6 : memref<512x128xf32, #tpu.memory_space<vmem>>) target(%dma_start3A_132 : memref<512x128xf32, #tpu.memory_space<hbm>>) target_semaphore(%run_scoped3A : memref<!tpu.dma_semaphore, #tpu.memory_space<semaphore_mem>>)
      %dma_wait3A_133 = arith.constant 0 : i32
      %dma_wait3A_134 = tpu.memref_slice %arg4[%add3A_58, %dma_wait3A_133] : memref<262144x128xf32, #tpu.memory_space<hbm>> -> memref<512x128xf32, #tpu.memory_space<hbm>>
      %dma_wait3A_135 = arith.constant 0 : i32
      %dma_wait3A_136 = tpu.memref_slice %arg4[%add3A_58, %dma_wait3A_135] : memref<262144x128xf32, #tpu.memory_space<hbm>> -> memref<512x128xf32, #tpu.memory_space<hbm>>
      tpu.wait_dma2 semaphore(%run_scoped3A : memref<!tpu.dma_semaphore, #tpu.memory_space<semaphore_mem>>) src(%arg6 : memref<512x128xf32, #tpu.memory_space<vmem>>) dst(%dma_wait3A_136 : memref<512x128xf32, #tpu.memory_space<hbm>>)
      tpu.yield
    }) : () -> ()
    %add3A_65 = arith.constant 4096 : i32
    %add3A_66 = arith.addi %mul3A_2, %add3A_65 : i32
    "tpu.region"() ({
      %run_scoped3A = tpu.sem_alloc : memref<!tpu.dma_semaphore, #tpu.memory_space<semaphore_mem>>
      %dma_start3A_129 = tpu.memref_slice %arg3[%add3A_66] : memref<262144xi32, #tpu.memory_space<hbm>> -> memref<512xi32, #tpu.memory_space<hbm>>
      %dma_start3A_130 = tpu.memref_slice %arg3[%add3A_66] : memref<262144xi32, #tpu.memory_space<hbm>> -> memref<512xi32, #tpu.memory_space<hbm>>
      tpu.enqueue_dma source(%dma_start3A_130 : memref<512xi32, #tpu.memory_space<hbm>>) target(%arg5 : memref<512xi32, #tpu.memory_space<vmem>>) target_semaphore(%run_scoped3A : memref<!tpu.dma_semaphore, #tpu.memory_space<semaphore_mem>>)
      %dma_wait3A_131 = tpu.memref_slice %arg3[%add3A_66] : memref<262144xi32, #tpu.memory_space<hbm>> -> memref<512xi32, #tpu.memory_space<hbm>>
      %dma_wait3A_132 = tpu.memref_slice %arg3[%add3A_66] : memref<262144xi32, #tpu.memory_space<hbm>> -> memref<512xi32, #tpu.memory_space<hbm>>
      tpu.wait_dma2 semaphore(%run_scoped3A : memref<!tpu.dma_semaphore, #tpu.memory_space<semaphore_mem>>) src(%dma_wait3A_132 : memref<512xi32, #tpu.memory_space<hbm>>) dst(%arg5 : memref<512xi32, #tpu.memory_space<vmem>>)
      tpu.yield
    }) : () -> ()
    %dma_start3A_67 = arith.constant 0 : i32
    %dma_start3A_68 = arith.constant 0 : i32
    %dma_start3A_69 = tpu.memref_slice %arg2[%dma_start3A_67, %dma_start3A_68] : memref<64x128xf32, #tpu.memory_space<hbm>> -> memref<64x128xf32, #tpu.memory_space<hbm>>
    tpu.enqueue_indirect_dma source(%dma_start3A_69 : memref<64x128xf32, #tpu.memory_space<hbm>>) target(%arg6 : memref<512x128xf32, #tpu.memory_space<vmem>>) offsets(%arg5 : memref<512xi32, #tpu.memory_space<vmem>>) semaphore(%arg7 : memref<!tpu.dma_semaphore, #tpu.memory_space<semaphore_mem>>)
    %dma_wait3A_70 = arith.constant 0 : i32
    %dma_wait3A_71 = arith.constant 0 : i32
    %dma_wait3A_72 = tpu.memref_slice %arg2[%dma_wait3A_70, %dma_wait3A_71] : memref<64x128xf32, #tpu.memory_space<hbm>> -> memref<64x128xf32, #tpu.memory_space<hbm>>
    tpu.wait_indirect_dma semaphore(%arg7 : memref<!tpu.dma_semaphore, #tpu.memory_space<semaphore_mem>>) src(%dma_wait3A_72 : memref<64x128xf32, #tpu.memory_space<hbm>>) dst(%arg6 : memref<512x128xf32, #tpu.memory_space<vmem>>)
    "tpu.region"() ({
      %run_scoped3A = tpu.sem_alloc : memref<!tpu.dma_semaphore, #tpu.memory_space<semaphore_mem>>
      %dma_start3A_129 = arith.constant 0 : i32
      %dma_start3A_130 = tpu.memref_slice %arg4[%add3A_66, %dma_start3A_129] : memref<262144x128xf32, #tpu.memory_space<hbm>> -> memref<512x128xf32, #tpu.memory_space<hbm>>
      %dma_start3A_131 = arith.constant 0 : i32
      %dma_start3A_132 = tpu.memref_slice %arg4[%add3A_66, %dma_start3A_131] : memref<262144x128xf32, #tpu.memory_space<hbm>> -> memref<512x128xf32, #tpu.memory_space<hbm>>
      tpu.enqueue_dma source(%arg6 : memref<512x128xf32, #tpu.memory_space<vmem>>) target(%dma_start3A_132 : memref<512x128xf32, #tpu.memory_space<hbm>>) target_semaphore(%run_scoped3A : memref<!tpu.dma_semaphore, #tpu.memory_space<semaphore_mem>>)
      %dma_wait3A_133 = arith.constant 0 : i32
      %dma_wait3A_134 = tpu.memref_slice %arg4[%add3A_66, %dma_wait3A_133] : memref<262144x128xf32, #tpu.memory_space<hbm>> -> memref<512x128xf32, #tpu.memory_space<hbm>>
      %dma_wait3A_135 = arith.constant 0 : i32
      %dma_wait3A_136 = tpu.memref_slice %arg4[%add3A_66, %dma_wait3A_135] : memref<262144x128xf32, #tpu.memory_space<hbm>> -> memref<512x128xf32, #tpu.memory_space<hbm>>
      tpu.wait_dma2 semaphore(%run_scoped3A : memref<!tpu.dma_semaphore, #tpu.memory_space<semaphore_mem>>) src(%arg6 : memref<512x128xf32, #tpu.memory_space<vmem>>) dst(%dma_wait3A_136 : memref<512x128xf32, #tpu.memory_space<hbm>>)
      tpu.yield
    }) : () -> ()
    %add3A_73 = arith.constant 4608 : i32
    %add3A_74 = arith.addi %mul3A_2, %add3A_73 : i32
    "tpu.region"() ({
      %run_scoped3A = tpu.sem_alloc : memref<!tpu.dma_semaphore, #tpu.memory_space<semaphore_mem>>
      %dma_start3A_129 = tpu.memref_slice %arg3[%add3A_74] : memref<262144xi32, #tpu.memory_space<hbm>> -> memref<512xi32, #tpu.memory_space<hbm>>
      %dma_start3A_130 = tpu.memref_slice %arg3[%add3A_74] : memref<262144xi32, #tpu.memory_space<hbm>> -> memref<512xi32, #tpu.memory_space<hbm>>
      tpu.enqueue_dma source(%dma_start3A_130 : memref<512xi32, #tpu.memory_space<hbm>>) target(%arg5 : memref<512xi32, #tpu.memory_space<vmem>>) target_semaphore(%run_scoped3A : memref<!tpu.dma_semaphore, #tpu.memory_space<semaphore_mem>>)
      %dma_wait3A_131 = tpu.memref_slice %arg3[%add3A_74] : memref<262144xi32, #tpu.memory_space<hbm>> -> memref<512xi32, #tpu.memory_space<hbm>>
      %dma_wait3A_132 = tpu.memref_slice %arg3[%add3A_74] : memref<262144xi32, #tpu.memory_space<hbm>> -> memref<512xi32, #tpu.memory_space<hbm>>
      tpu.wait_dma2 semaphore(%run_scoped3A : memref<!tpu.dma_semaphore, #tpu.memory_space<semaphore_mem>>) src(%dma_wait3A_132 : memref<512xi32, #tpu.memory_space<hbm>>) dst(%arg5 : memref<512xi32, #tpu.memory_space<vmem>>)
      tpu.yield
    }) : () -> ()
    %dma_start3A_75 = arith.constant 0 : i32
    %dma_start3A_76 = arith.constant 0 : i32
    %dma_start3A_77 = tpu.memref_slice %arg2[%dma_start3A_75, %dma_start3A_76] : memref<64x128xf32, #tpu.memory_space<hbm>> -> memref<64x128xf32, #tpu.memory_space<hbm>>
    tpu.enqueue_indirect_dma source(%dma_start3A_77 : memref<64x128xf32, #tpu.memory_space<hbm>>) target(%arg6 : memref<512x128xf32, #tpu.memory_space<vmem>>) offsets(%arg5 : memref<512xi32, #tpu.memory_space<vmem>>) semaphore(%arg7 : memref<!tpu.dma_semaphore, #tpu.memory_space<semaphore_mem>>)
    %dma_wait3A_78 = arith.constant 0 : i32
    %dma_wait3A_79 = arith.constant 0 : i32
    %dma_wait3A_80 = tpu.memref_slice %arg2[%dma_wait3A_78, %dma_wait3A_79] : memref<64x128xf32, #tpu.memory_space<hbm>> -> memref<64x128xf32, #tpu.memory_space<hbm>>
    tpu.wait_indirect_dma semaphore(%arg7 : memref<!tpu.dma_semaphore, #tpu.memory_space<semaphore_mem>>) src(%dma_wait3A_80 : memref<64x128xf32, #tpu.memory_space<hbm>>) dst(%arg6 : memref<512x128xf32, #tpu.memory_space<vmem>>)
    "tpu.region"() ({
      %run_scoped3A = tpu.sem_alloc : memref<!tpu.dma_semaphore, #tpu.memory_space<semaphore_mem>>
      %dma_start3A_129 = arith.constant 0 : i32
      %dma_start3A_130 = tpu.memref_slice %arg4[%add3A_74, %dma_start3A_129] : memref<262144x128xf32, #tpu.memory_space<hbm>> -> memref<512x128xf32, #tpu.memory_space<hbm>>
      %dma_start3A_131 = arith.constant 0 : i32
      %dma_start3A_132 = tpu.memref_slice %arg4[%add3A_74, %dma_start3A_131] : memref<262144x128xf32, #tpu.memory_space<hbm>> -> memref<512x128xf32, #tpu.memory_space<hbm>>
      tpu.enqueue_dma source(%arg6 : memref<512x128xf32, #tpu.memory_space<vmem>>) target(%dma_start3A_132 : memref<512x128xf32, #tpu.memory_space<hbm>>) target_semaphore(%run_scoped3A : memref<!tpu.dma_semaphore, #tpu.memory_space<semaphore_mem>>)
      %dma_wait3A_133 = arith.constant 0 : i32
      %dma_wait3A_134 = tpu.memref_slice %arg4[%add3A_74, %dma_wait3A_133] : memref<262144x128xf32, #tpu.memory_space<hbm>> -> memref<512x128xf32, #tpu.memory_space<hbm>>
      %dma_wait3A_135 = arith.constant 0 : i32
      %dma_wait3A_136 = tpu.memref_slice %arg4[%add3A_74, %dma_wait3A_135] : memref<262144x128xf32, #tpu.memory_space<hbm>> -> memref<512x128xf32, #tpu.memory_space<hbm>>
      tpu.wait_dma2 semaphore(%run_scoped3A : memref<!tpu.dma_semaphore, #tpu.memory_space<semaphore_mem>>) src(%arg6 : memref<512x128xf32, #tpu.memory_space<vmem>>) dst(%dma_wait3A_136 : memref<512x128xf32, #tpu.memory_space<hbm>>)
      tpu.yield
    }) : () -> ()
    %add3A_81 = arith.constant 5120 : i32
    %add3A_82 = arith.addi %mul3A_2, %add3A_81 : i32
    "tpu.region"() ({
      %run_scoped3A = tpu.sem_alloc : memref<!tpu.dma_semaphore, #tpu.memory_space<semaphore_mem>>
      %dma_start3A_129 = tpu.memref_slice %arg3[%add3A_82] : memref<262144xi32, #tpu.memory_space<hbm>> -> memref<512xi32, #tpu.memory_space<hbm>>
      %dma_start3A_130 = tpu.memref_slice %arg3[%add3A_82] : memref<262144xi32, #tpu.memory_space<hbm>> -> memref<512xi32, #tpu.memory_space<hbm>>
      tpu.enqueue_dma source(%dma_start3A_130 : memref<512xi32, #tpu.memory_space<hbm>>) target(%arg5 : memref<512xi32, #tpu.memory_space<vmem>>) target_semaphore(%run_scoped3A : memref<!tpu.dma_semaphore, #tpu.memory_space<semaphore_mem>>)
      %dma_wait3A_131 = tpu.memref_slice %arg3[%add3A_82] : memref<262144xi32, #tpu.memory_space<hbm>> -> memref<512xi32, #tpu.memory_space<hbm>>
      %dma_wait3A_132 = tpu.memref_slice %arg3[%add3A_82] : memref<262144xi32, #tpu.memory_space<hbm>> -> memref<512xi32, #tpu.memory_space<hbm>>
      tpu.wait_dma2 semaphore(%run_scoped3A : memref<!tpu.dma_semaphore, #tpu.memory_space<semaphore_mem>>) src(%dma_wait3A_132 : memref<512xi32, #tpu.memory_space<hbm>>) dst(%arg5 : memref<512xi32, #tpu.memory_space<vmem>>)
      tpu.yield
    }) : () -> ()
    %dma_start3A_83 = arith.constant 0 : i32
    %dma_start3A_84 = arith.constant 0 : i32
    %dma_start3A_85 = tpu.memref_slice %arg2[%dma_start3A_83, %dma_start3A_84] : memref<64x128xf32, #tpu.memory_space<hbm>> -> memref<64x128xf32, #tpu.memory_space<hbm>>
    tpu.enqueue_indirect_dma source(%dma_start3A_85 : memref<64x128xf32, #tpu.memory_space<hbm>>) target(%arg6 : memref<512x128xf32, #tpu.memory_space<vmem>>) offsets(%arg5 : memref<512xi32, #tpu.memory_space<vmem>>) semaphore(%arg7 : memref<!tpu.dma_semaphore, #tpu.memory_space<semaphore_mem>>)
    %dma_wait3A_86 = arith.constant 0 : i32
    %dma_wait3A_87 = arith.constant 0 : i32
    %dma_wait3A_88 = tpu.memref_slice %arg2[%dma_wait3A_86, %dma_wait3A_87] : memref<64x128xf32, #tpu.memory_space<hbm>> -> memref<64x128xf32, #tpu.memory_space<hbm>>
    tpu.wait_indirect_dma semaphore(%arg7 : memref<!tpu.dma_semaphore, #tpu.memory_space<semaphore_mem>>) src(%dma_wait3A_88 : memref<64x128xf32, #tpu.memory_space<hbm>>) dst(%arg6 : memref<512x128xf32, #tpu.memory_space<vmem>>)
    "tpu.region"() ({
      %run_scoped3A = tpu.sem_alloc : memref<!tpu.dma_semaphore, #tpu.memory_space<semaphore_mem>>
      %dma_start3A_129 = arith.constant 0 : i32
      %dma_start3A_130 = tpu.memref_slice %arg4[%add3A_82, %dma_start3A_129] : memref<262144x128xf32, #tpu.memory_space<hbm>> -> memref<512x128xf32, #tpu.memory_space<hbm>>
      %dma_start3A_131 = arith.constant 0 : i32
      %dma_start3A_132 = tpu.memref_slice %arg4[%add3A_82, %dma_start3A_131] : memref<262144x128xf32, #tpu.memory_space<hbm>> -> memref<512x128xf32, #tpu.memory_space<hbm>>
      tpu.enqueue_dma source(%arg6 : memref<512x128xf32, #tpu.memory_space<vmem>>) target(%dma_start3A_132 : memref<512x128xf32, #tpu.memory_space<hbm>>) target_semaphore(%run_scoped3A : memref<!tpu.dma_semaphore, #tpu.memory_space<semaphore_mem>>)
      %dma_wait3A_133 = arith.constant 0 : i32
      %dma_wait3A_134 = tpu.memref_slice %arg4[%add3A_82, %dma_wait3A_133] : memref<262144x128xf32, #tpu.memory_space<hbm>> -> memref<512x128xf32, #tpu.memory_space<hbm>>
      %dma_wait3A_135 = arith.constant 0 : i32
      %dma_wait3A_136 = tpu.memref_slice %arg4[%add3A_82, %dma_wait3A_135] : memref<262144x128xf32, #tpu.memory_space<hbm>> -> memref<512x128xf32, #tpu.memory_space<hbm>>
      tpu.wait_dma2 semaphore(%run_scoped3A : memref<!tpu.dma_semaphore, #tpu.memory_space<semaphore_mem>>) src(%arg6 : memref<512x128xf32, #tpu.memory_space<vmem>>) dst(%dma_wait3A_136 : memref<512x128xf32, #tpu.memory_space<hbm>>)
      tpu.yield
    }) : () -> ()
    %add3A_89 = arith.constant 5632 : i32
    %add3A_90 = arith.addi %mul3A_2, %add3A_89 : i32
    "tpu.region"() ({
      %run_scoped3A = tpu.sem_alloc : memref<!tpu.dma_semaphore, #tpu.memory_space<semaphore_mem>>
      %dma_start3A_129 = tpu.memref_slice %arg3[%add3A_90] : memref<262144xi32, #tpu.memory_space<hbm>> -> memref<512xi32, #tpu.memory_space<hbm>>
      %dma_start3A_130 = tpu.memref_slice %arg3[%add3A_90] : memref<262144xi32, #tpu.memory_space<hbm>> -> memref<512xi32, #tpu.memory_space<hbm>>
      tpu.enqueue_dma source(%dma_start3A_130 : memref<512xi32, #tpu.memory_space<hbm>>) target(%arg5 : memref<512xi32, #tpu.memory_space<vmem>>) target_semaphore(%run_scoped3A : memref<!tpu.dma_semaphore, #tpu.memory_space<semaphore_mem>>)
      %dma_wait3A_131 = tpu.memref_slice %arg3[%add3A_90] : memref<262144xi32, #tpu.memory_space<hbm>> -> memref<512xi32, #tpu.memory_space<hbm>>
      %dma_wait3A_132 = tpu.memref_slice %arg3[%add3A_90] : memref<262144xi32, #tpu.memory_space<hbm>> -> memref<512xi32, #tpu.memory_space<hbm>>
      tpu.wait_dma2 semaphore(%run_scoped3A : memref<!tpu.dma_semaphore, #tpu.memory_space<semaphore_mem>>) src(%dma_wait3A_132 : memref<512xi32, #tpu.memory_space<hbm>>) dst(%arg5 : memref<512xi32, #tpu.memory_space<vmem>>)
      tpu.yield
    }) : () -> ()
    %dma_start3A_91 = arith.constant 0 : i32
    %dma_start3A_92 = arith.constant 0 : i32
    %dma_start3A_93 = tpu.memref_slice %arg2[%dma_start3A_91, %dma_start3A_92] : memref<64x128xf32, #tpu.memory_space<hbm>> -> memref<64x128xf32, #tpu.memory_space<hbm>>
    tpu.enqueue_indirect_dma source(%dma_start3A_93 : memref<64x128xf32, #tpu.memory_space<hbm>>) target(%arg6 : memref<512x128xf32, #tpu.memory_space<vmem>>) offsets(%arg5 : memref<512xi32, #tpu.memory_space<vmem>>) semaphore(%arg7 : memref<!tpu.dma_semaphore, #tpu.memory_space<semaphore_mem>>)
    %dma_wait3A_94 = arith.constant 0 : i32
    %dma_wait3A_95 = arith.constant 0 : i32
    %dma_wait3A_96 = tpu.memref_slice %arg2[%dma_wait3A_94, %dma_wait3A_95] : memref<64x128xf32, #tpu.memory_space<hbm>> -> memref<64x128xf32, #tpu.memory_space<hbm>>
    tpu.wait_indirect_dma semaphore(%arg7 : memref<!tpu.dma_semaphore, #tpu.memory_space<semaphore_mem>>) src(%dma_wait3A_96 : memref<64x128xf32, #tpu.memory_space<hbm>>) dst(%arg6 : memref<512x128xf32, #tpu.memory_space<vmem>>)
    "tpu.region"() ({
      %run_scoped3A = tpu.sem_alloc : memref<!tpu.dma_semaphore, #tpu.memory_space<semaphore_mem>>
      %dma_start3A_129 = arith.constant 0 : i32
      %dma_start3A_130 = tpu.memref_slice %arg4[%add3A_90, %dma_start3A_129] : memref<262144x128xf32, #tpu.memory_space<hbm>> -> memref<512x128xf32, #tpu.memory_space<hbm>>
      %dma_start3A_131 = arith.constant 0 : i32
      %dma_start3A_132 = tpu.memref_slice %arg4[%add3A_90, %dma_start3A_131] : memref<262144x128xf32, #tpu.memory_space<hbm>> -> memref<512x128xf32, #tpu.memory_space<hbm>>
      tpu.enqueue_dma source(%arg6 : memref<512x128xf32, #tpu.memory_space<vmem>>) target(%dma_start3A_132 : memref<512x128xf32, #tpu.memory_space<hbm>>) target_semaphore(%run_scoped3A : memref<!tpu.dma_semaphore, #tpu.memory_space<semaphore_mem>>)
      %dma_wait3A_133 = arith.constant 0 : i32
      %dma_wait3A_134 = tpu.memref_slice %arg4[%add3A_90, %dma_wait3A_133] : memref<262144x128xf32, #tpu.memory_space<hbm>> -> memref<512x128xf32, #tpu.memory_space<hbm>>
      %dma_wait3A_135 = arith.constant 0 : i32
      %dma_wait3A_136 = tpu.memref_slice %arg4[%add3A_90, %dma_wait3A_135] : memref<262144x128xf32, #tpu.memory_space<hbm>> -> memref<512x128xf32, #tpu.memory_space<hbm>>
      tpu.wait_dma2 semaphore(%run_scoped3A : memref<!tpu.dma_semaphore, #tpu.memory_space<semaphore_mem>>) src(%arg6 : memref<512x128xf32, #tpu.memory_space<vmem>>) dst(%dma_wait3A_136 : memref<512x128xf32, #tpu.memory_space<hbm>>)
      tpu.yield
    }) : () -> ()
    %add3A_97 = arith.constant 6144 : i32
    %add3A_98 = arith.addi %mul3A_2, %add3A_97 : i32
    "tpu.region"() ({
      %run_scoped3A = tpu.sem_alloc : memref<!tpu.dma_semaphore, #tpu.memory_space<semaphore_mem>>
      %dma_start3A_129 = tpu.memref_slice %arg3[%add3A_98] : memref<262144xi32, #tpu.memory_space<hbm>> -> memref<512xi32, #tpu.memory_space<hbm>>
      %dma_start3A_130 = tpu.memref_slice %arg3[%add3A_98] : memref<262144xi32, #tpu.memory_space<hbm>> -> memref<512xi32, #tpu.memory_space<hbm>>
      tpu.enqueue_dma source(%dma_start3A_130 : memref<512xi32, #tpu.memory_space<hbm>>) target(%arg5 : memref<512xi32, #tpu.memory_space<vmem>>) target_semaphore(%run_scoped3A : memref<!tpu.dma_semaphore, #tpu.memory_space<semaphore_mem>>)
      %dma_wait3A_131 = tpu.memref_slice %arg3[%add3A_98] : memref<262144xi32, #tpu.memory_space<hbm>> -> memref<512xi32, #tpu.memory_space<hbm>>
      %dma_wait3A_132 = tpu.memref_slice %arg3[%add3A_98] : memref<262144xi32, #tpu.memory_space<hbm>> -> memref<512xi32, #tpu.memory_space<hbm>>
      tpu.wait_dma2 semaphore(%run_scoped3A : memref<!tpu.dma_semaphore, #tpu.memory_space<semaphore_mem>>) src(%dma_wait3A_132 : memref<512xi32, #tpu.memory_space<hbm>>) dst(%arg5 : memref<512xi32, #tpu.memory_space<vmem>>)
      tpu.yield
    }) : () -> ()
    %dma_start3A_99 = arith.constant 0 : i32
    %dma_start3A_100 = arith.constant 0 : i32
    %dma_start3A_101 = tpu.memref_slice %arg2[%dma_start3A_99, %dma_start3A_100] : memref<64x128xf32, #tpu.memory_space<hbm>> -> memref<64x128xf32, #tpu.memory_space<hbm>>
    tpu.enqueue_indirect_dma source(%dma_start3A_101 : memref<64x128xf32, #tpu.memory_space<hbm>>) target(%arg6 : memref<512x128xf32, #tpu.memory_space<vmem>>) offsets(%arg5 : memref<512xi32, #tpu.memory_space<vmem>>) semaphore(%arg7 : memref<!tpu.dma_semaphore, #tpu.memory_space<semaphore_mem>>)
    %dma_wait3A_102 = arith.constant 0 : i32
    %dma_wait3A_103 = arith.constant 0 : i32
    %dma_wait3A_104 = tpu.memref_slice %arg2[%dma_wait3A_102, %dma_wait3A_103] : memref<64x128xf32, #tpu.memory_space<hbm>> -> memref<64x128xf32, #tpu.memory_space<hbm>>
    tpu.wait_indirect_dma semaphore(%arg7 : memref<!tpu.dma_semaphore, #tpu.memory_space<semaphore_mem>>) src(%dma_wait3A_104 : memref<64x128xf32, #tpu.memory_space<hbm>>) dst(%arg6 : memref<512x128xf32, #tpu.memory_space<vmem>>)
    "tpu.region"() ({
      %run_scoped3A = tpu.sem_alloc : memref<!tpu.dma_semaphore, #tpu.memory_space<semaphore_mem>>
      %dma_start3A_129 = arith.constant 0 : i32
      %dma_start3A_130 = tpu.memref_slice %arg4[%add3A_98, %dma_start3A_129] : memref<262144x128xf32, #tpu.memory_space<hbm>> -> memref<512x128xf32, #tpu.memory_space<hbm>>
      %dma_start3A_131 = arith.constant 0 : i32
      %dma_start3A_132 = tpu.memref_slice %arg4[%add3A_98, %dma_start3A_131] : memref<262144x128xf32, #tpu.memory_space<hbm>> -> memref<512x128xf32, #tpu.memory_space<hbm>>
      tpu.enqueue_dma source(%arg6 : memref<512x128xf32, #tpu.memory_space<vmem>>) target(%dma_start3A_132 : memref<512x128xf32, #tpu.memory_space<hbm>>) target_semaphore(%run_scoped3A : memref<!tpu.dma_semaphore, #tpu.memory_space<semaphore_mem>>)
      %dma_wait3A_133 = arith.constant 0 : i32
      %dma_wait3A_134 = tpu.memref_slice %arg4[%add3A_98, %dma_wait3A_133] : memref<262144x128xf32, #tpu.memory_space<hbm>> -> memref<512x128xf32, #tpu.memory_space<hbm>>
      %dma_wait3A_135 = arith.constant 0 : i32
      %dma_wait3A_136 = tpu.memref_slice %arg4[%add3A_98, %dma_wait3A_135] : memref<262144x128xf32, #tpu.memory_space<hbm>> -> memref<512x128xf32, #tpu.memory_space<hbm>>
      tpu.wait_dma2 semaphore(%run_scoped3A : memref<!tpu.dma_semaphore, #tpu.memory_space<semaphore_mem>>) src(%arg6 : memref<512x128xf32, #tpu.memory_space<vmem>>) dst(%dma_wait3A_136 : memref<512x128xf32, #tpu.memory_space<hbm>>)
      tpu.yield
    }) : () -> ()
    %add3A_105 = arith.constant 6656 : i32
    %add3A_106 = arith.addi %mul3A_2, %add3A_105 : i32
    "tpu.region"() ({
      %run_scoped3A = tpu.sem_alloc : memref<!tpu.dma_semaphore, #tpu.memory_space<semaphore_mem>>
      %dma_start3A_129 = tpu.memref_slice %arg3[%add3A_106] : memref<262144xi32, #tpu.memory_space<hbm>> -> memref<512xi32, #tpu.memory_space<hbm>>
      %dma_start3A_130 = tpu.memref_slice %arg3[%add3A_106] : memref<262144xi32, #tpu.memory_space<hbm>> -> memref<512xi32, #tpu.memory_space<hbm>>
      tpu.enqueue_dma source(%dma_start3A_130 : memref<512xi32, #tpu.memory_space<hbm>>) target(%arg5 : memref<512xi32, #tpu.memory_space<vmem>>) target_semaphore(%run_scoped3A : memref<!tpu.dma_semaphore, #tpu.memory_space<semaphore_mem>>)
      %dma_wait3A_131 = tpu.memref_slice %arg3[%add3A_106] : memref<262144xi32, #tpu.memory_space<hbm>> -> memref<512xi32, #tpu.memory_space<hbm>>
      %dma_wait3A_132 = tpu.memref_slice %arg3[%add3A_106] : memref<262144xi32, #tpu.memory_space<hbm>> -> memref<512xi32, #tpu.memory_space<hbm>>
      tpu.wait_dma2 semaphore(%run_scoped3A : memref<!tpu.dma_semaphore, #tpu.memory_space<semaphore_mem>>) src(%dma_wait3A_132 : memref<512xi32, #tpu.memory_space<hbm>>) dst(%arg5 : memref<512xi32, #tpu.memory_space<vmem>>)
      tpu.yield
    }) : () -> ()
    %dma_start3A_107 = arith.constant 0 : i32
    %dma_start3A_108 = arith.constant 0 : i32
    %dma_start3A_109 = tpu.memref_slice %arg2[%dma_start3A_107, %dma_start3A_108] : memref<64x128xf32, #tpu.memory_space<hbm>> -> memref<64x128xf32, #tpu.memory_space<hbm>>
    tpu.enqueue_indirect_dma source(%dma_start3A_109 : memref<64x128xf32, #tpu.memory_space<hbm>>) target(%arg6 : memref<512x128xf32, #tpu.memory_space<vmem>>) offsets(%arg5 : memref<512xi32, #tpu.memory_space<vmem>>) semaphore(%arg7 : memref<!tpu.dma_semaphore, #tpu.memory_space<semaphore_mem>>)
    %dma_wait3A_110 = arith.constant 0 : i32
    %dma_wait3A_111 = arith.constant 0 : i32
    %dma_wait3A_112 = tpu.memref_slice %arg2[%dma_wait3A_110, %dma_wait3A_111] : memref<64x128xf32, #tpu.memory_space<hbm>> -> memref<64x128xf32, #tpu.memory_space<hbm>>
    tpu.wait_indirect_dma semaphore(%arg7 : memref<!tpu.dma_semaphore, #tpu.memory_space<semaphore_mem>>) src(%dma_wait3A_112 : memref<64x128xf32, #tpu.memory_space<hbm>>) dst(%arg6 : memref<512x128xf32, #tpu.memory_space<vmem>>)
    "tpu.region"() ({
      %run_scoped3A = tpu.sem_alloc : memref<!tpu.dma_semaphore, #tpu.memory_space<semaphore_mem>>
      %dma_start3A_129 = arith.constant 0 : i32
      %dma_start3A_130 = tpu.memref_slice %arg4[%add3A_106, %dma_start3A_129] : memref<262144x128xf32, #tpu.memory_space<hbm>> -> memref<512x128xf32, #tpu.memory_space<hbm>>
      %dma_start3A_131 = arith.constant 0 : i32
      %dma_start3A_132 = tpu.memref_slice %arg4[%add3A_106, %dma_start3A_131] : memref<262144x128xf32, #tpu.memory_space<hbm>> -> memref<512x128xf32, #tpu.memory_space<hbm>>
      tpu.enqueue_dma source(%arg6 : memref<512x128xf32, #tpu.memory_space<vmem>>) target(%dma_start3A_132 : memref<512x128xf32, #tpu.memory_space<hbm>>) target_semaphore(%run_scoped3A : memref<!tpu.dma_semaphore, #tpu.memory_space<semaphore_mem>>)
      %dma_wait3A_133 = arith.constant 0 : i32
      %dma_wait3A_134 = tpu.memref_slice %arg4[%add3A_106, %dma_wait3A_133] : memref<262144x128xf32, #tpu.memory_space<hbm>> -> memref<512x128xf32, #tpu.memory_space<hbm>>
      %dma_wait3A_135 = arith.constant 0 : i32
      %dma_wait3A_136 = tpu.memref_slice %arg4[%add3A_106, %dma_wait3A_135] : memref<262144x128xf32, #tpu.memory_space<hbm>> -> memref<512x128xf32, #tpu.memory_space<hbm>>
      tpu.wait_dma2 semaphore(%run_scoped3A : memref<!tpu.dma_semaphore, #tpu.memory_space<semaphore_mem>>) src(%arg6 : memref<512x128xf32, #tpu.memory_space<vmem>>) dst(%dma_wait3A_136 : memref<512x128xf32, #tpu.memory_space<hbm>>)
      tpu.yield
    }) : () -> ()
    %add3A_113 = arith.constant 7168 : i32
    %add3A_114 = arith.addi %mul3A_2, %add3A_113 : i32
    "tpu.region"() ({
      %run_scoped3A = tpu.sem_alloc : memref<!tpu.dma_semaphore, #tpu.memory_space<semaphore_mem>>
      %dma_start3A_129 = tpu.memref_slice %arg3[%add3A_114] : memref<262144xi32, #tpu.memory_space<hbm>> -> memref<512xi32, #tpu.memory_space<hbm>>
      %dma_start3A_130 = tpu.memref_slice %arg3[%add3A_114] : memref<262144xi32, #tpu.memory_space<hbm>> -> memref<512xi32, #tpu.memory_space<hbm>>
      tpu.enqueue_dma source(%dma_start3A_130 : memref<512xi32, #tpu.memory_space<hbm>>) target(%arg5 : memref<512xi32, #tpu.memory_space<vmem>>) target_semaphore(%run_scoped3A : memref<!tpu.dma_semaphore, #tpu.memory_space<semaphore_mem>>)
      %dma_wait3A_131 = tpu.memref_slice %arg3[%add3A_114] : memref<262144xi32, #tpu.memory_space<hbm>> -> memref<512xi32, #tpu.memory_space<hbm>>
      %dma_wait3A_132 = tpu.memref_slice %arg3[%add3A_114] : memref<262144xi32, #tpu.memory_space<hbm>> -> memref<512xi32, #tpu.memory_space<hbm>>
      tpu.wait_dma2 semaphore(%run_scoped3A : memref<!tpu.dma_semaphore, #tpu.memory_space<semaphore_mem>>) src(%dma_wait3A_132 : memref<512xi32, #tpu.memory_space<hbm>>) dst(%arg5 : memref<512xi32, #tpu.memory_space<vmem>>)
      tpu.yield
    }) : () -> ()
    %dma_start3A_115 = arith.constant 0 : i32
    %dma_start3A_116 = arith.constant 0 : i32
    %dma_start3A_117 = tpu.memref_slice %arg2[%dma_start3A_115, %dma_start3A_116] : memref<64x128xf32, #tpu.memory_space<hbm>> -> memref<64x128xf32, #tpu.memory_space<hbm>>
    tpu.enqueue_indirect_dma source(%dma_start3A_117 : memref<64x128xf32, #tpu.memory_space<hbm>>) target(%arg6 : memref<512x128xf32, #tpu.memory_space<vmem>>) offsets(%arg5 : memref<512xi32, #tpu.memory_space<vmem>>) semaphore(%arg7 : memref<!tpu.dma_semaphore, #tpu.memory_space<semaphore_mem>>)
    %dma_wait3A_118 = arith.constant 0 : i32
    %dma_wait3A_119 = arith.constant 0 : i32
    %dma_wait3A_120 = tpu.memref_slice %arg2[%dma_wait3A_118, %dma_wait3A_119] : memref<64x128xf32, #tpu.memory_space<hbm>> -> memref<64x128xf32, #tpu.memory_space<hbm>>
    tpu.wait_indirect_dma semaphore(%arg7 : memref<!tpu.dma_semaphore, #tpu.memory_space<semaphore_mem>>) src(%dma_wait3A_120 : memref<64x128xf32, #tpu.memory_space<hbm>>) dst(%arg6 : memref<512x128xf32, #tpu.memory_space<vmem>>)
    "tpu.region"() ({
      %run_scoped3A = tpu.sem_alloc : memref<!tpu.dma_semaphore, #tpu.memory_space<semaphore_mem>>
      %dma_start3A_129 = arith.constant 0 : i32
      %dma_start3A_130 = tpu.memref_slice %arg4[%add3A_114, %dma_start3A_129] : memref<262144x128xf32, #tpu.memory_space<hbm>> -> memref<512x128xf32, #tpu.memory_space<hbm>>
      %dma_start3A_131 = arith.constant 0 : i32
      %dma_start3A_132 = tpu.memref_slice %arg4[%add3A_114, %dma_start3A_131] : memref<262144x128xf32, #tpu.memory_space<hbm>> -> memref<512x128xf32, #tpu.memory_space<hbm>>
      tpu.enqueue_dma source(%arg6 : memref<512x128xf32, #tpu.memory_space<vmem>>) target(%dma_start3A_132 : memref<512x128xf32, #tpu.memory_space<hbm>>) target_semaphore(%run_scoped3A : memref<!tpu.dma_semaphore, #tpu.memory_space<semaphore_mem>>)
      %dma_wait3A_133 = arith.constant 0 : i32
      %dma_wait3A_134 = tpu.memref_slice %arg4[%add3A_114, %dma_wait3A_133] : memref<262144x128xf32, #tpu.memory_space<hbm>> -> memref<512x128xf32, #tpu.memory_space<hbm>>
      %dma_wait3A_135 = arith.constant 0 : i32
      %dma_wait3A_136 = tpu.memref_slice %arg4[%add3A_114, %dma_wait3A_135] : memref<262144x128xf32, #tpu.memory_space<hbm>> -> memref<512x128xf32, #tpu.memory_space<hbm>>
      tpu.wait_dma2 semaphore(%run_scoped3A : memref<!tpu.dma_semaphore, #tpu.memory_space<semaphore_mem>>) src(%arg6 : memref<512x128xf32, #tpu.memory_space<vmem>>) dst(%dma_wait3A_136 : memref<512x128xf32, #tpu.memory_space<hbm>>)
      tpu.yield
    }) : () -> ()
    %add3A_121 = arith.constant 7680 : i32
    %add3A_122 = arith.addi %mul3A_2, %add3A_121 : i32
    "tpu.region"() ({
      %run_scoped3A = tpu.sem_alloc : memref<!tpu.dma_semaphore, #tpu.memory_space<semaphore_mem>>
      %dma_start3A_129 = tpu.memref_slice %arg3[%add3A_122] : memref<262144xi32, #tpu.memory_space<hbm>> -> memref<512xi32, #tpu.memory_space<hbm>>
      %dma_start3A_130 = tpu.memref_slice %arg3[%add3A_122] : memref<262144xi32, #tpu.memory_space<hbm>> -> memref<512xi32, #tpu.memory_space<hbm>>
      tpu.enqueue_dma source(%dma_start3A_130 : memref<512xi32, #tpu.memory_space<hbm>>) target(%arg5 : memref<512xi32, #tpu.memory_space<vmem>>) target_semaphore(%run_scoped3A : memref<!tpu.dma_semaphore, #tpu.memory_space<semaphore_mem>>)
      %dma_wait3A_131 = tpu.memref_slice %arg3[%add3A_122] : memref<262144xi32, #tpu.memory_space<hbm>> -> memref<512xi32, #tpu.memory_space<hbm>>
      %dma_wait3A_132 = tpu.memref_slice %arg3[%add3A_122] : memref<262144xi32, #tpu.memory_space<hbm>> -> memref<512xi32, #tpu.memory_space<hbm>>
      tpu.wait_dma2 semaphore(%run_scoped3A : memref<!tpu.dma_semaphore, #tpu.memory_space<semaphore_mem>>) src(%dma_wait3A_132 : memref<512xi32, #tpu.memory_space<hbm>>) dst(%arg5 : memref<512xi32, #tpu.memory_space<vmem>>)
      tpu.yield
    }) : () -> ()
    %dma_start3A_123 = arith.constant 0 : i32
    %dma_start3A_124 = arith.constant 0 : i32
    %dma_start3A_125 = tpu.memref_slice %arg2[%dma_start3A_123, %dma_start3A_124] : memref<64x128xf32, #tpu.memory_space<hbm>> -> memref<64x128xf32, #tpu.memory_space<hbm>>
    tpu.enqueue_indirect_dma source(%dma_start3A_125 : memref<64x128xf32, #tpu.memory_space<hbm>>) target(%arg6 : memref<512x128xf32, #tpu.memory_space<vmem>>) offsets(%arg5 : memref<512xi32, #tpu.memory_space<vmem>>) semaphore(%arg7 : memref<!tpu.dma_semaphore, #tpu.memory_space<semaphore_mem>>)
    %dma_wait3A_126 = arith.constant 0 : i32
    %dma_wait3A_127 = arith.constant 0 : i32
    %dma_wait3A_128 = tpu.memref_slice %arg2[%dma_wait3A_126, %dma_wait3A_127] : memref<64x128xf32, #tpu.memory_space<hbm>> -> memref<64x128xf32, #tpu.memory_space<hbm>>
    tpu.wait_indirect_dma semaphore(%arg7 : memref<!tpu.dma_semaphore, #tpu.memory_space<semaphore_mem>>) src(%dma_wait3A_128 : memref<64x128xf32, #tpu.memory_space<hbm>>) dst(%arg6 : memref<512x128xf32, #tpu.memory_space<vmem>>)
    "tpu.region"() ({
      %run_scoped3A = tpu.sem_alloc : memref<!tpu.dma_semaphore, #tpu.memory_space<semaphore_mem>>
      %dma_start3A_129 = arith.constant 0 : i32
      %dma_start3A_130 = tpu.memref_slice %arg4[%add3A_122, %dma_start3A_129] : memref<262144x128xf32, #tpu.memory_space<hbm>> -> memref<512x128xf32, #tpu.memory_space<hbm>>
      %dma_start3A_131 = arith.constant 0 : i32
      %dma_start3A_132 = tpu.memref_slice %arg4[%add3A_122, %dma_start3A_131] : memref<262144x128xf32, #tpu.memory_space<hbm>> -> memref<512x128xf32, #tpu.memory_space<hbm>>
      tpu.enqueue_dma source(%arg6 : memref<512x128xf32, #tpu.memory_space<vmem>>) target(%dma_start3A_132 : memref<512x128xf32, #tpu.memory_space<hbm>>) target_semaphore(%run_scoped3A : memref<!tpu.dma_semaphore, #tpu.memory_space<semaphore_mem>>)
      %dma_wait3A_133 = arith.constant 0 : i32
      %dma_wait3A_134 = tpu.memref_slice %arg4[%add3A_122, %dma_wait3A_133] : memref<262144x128xf32, #tpu.memory_space<hbm>> -> memref<512x128xf32, #tpu.memory_space<hbm>>
      %dma_wait3A_135 = arith.constant 0 : i32
      %dma_wait3A_136 = tpu.memref_slice %arg4[%add3A_122, %dma_wait3A_135] : memref<262144x128xf32, #tpu.memory_space<hbm>> -> memref<512x128xf32, #tpu.memory_space<hbm>>
      tpu.wait_dma2 semaphore(%run_scoped3A : memref<!tpu.dma_semaphore, #tpu.memory_space<semaphore_mem>>) src(%arg6 : memref<512x128xf32, #tpu.memory_space<vmem>>) dst(%dma_wait3A_136 : memref<512x128xf32, #tpu.memory_space<hbm>>)
      tpu.yield
    }) : () -> ()
    return
  }
}

module attributes {stable_mosaic.version = 14 : i64} {
  func.func @_tc_body(%arg0: i32, %arg1: memref<1x1x4096xi32, #tpu.memory_space<vmem>>, %arg2: memref<16x4096xbf16, #tpu.memory_space<vmem>>, %arg3: memref<4096x128xf32, #tpu.memory_space<vmem>>, %arg4: memref<1024x64xbf16, #tpu.memory_space<vmem>>, %arg5: memref<4096x64xf32, #tpu.memory_space<vmem>>) attributes {dimension_semantics = [#tpu.dimension_semantics<arbitrary>], iteration_bounds = array<i64: 64>, scalar_prefetch = 0 : i64, scratch_operands = 0 : i64, tpu.core_type = #tpu.core_type<tc>, window_params = [{transform_indices = @transform_0, window_bounds = array<i64: 1, 1, 4096>}, {transform_indices = @transform_1, window_bounds = array<i64: 16, 4096>}, {transform_indices = @transform_2, window_bounds = array<i64: 4096, 128>}, {pipeline_mode = #tpu.pipeline_mode<synchronous>, transform_indices = @transform_3, window_bounds = array<i64: 1024, 64>}, {transform_indices = @transform_4, window_bounds = array<i64: 4096, 64>}]} {
    %get3A = arith.constant 0 : index
    %get3A_0 = arith.constant 0 : index
    %get3A_1 = arith.constant 0 : index
    %get3A_2 = vector.load %arg1[%get3A, %get3A_0, %get3A_1] : memref<1x1x4096xi32, #tpu.memory_space<vmem>>, vector<1x1x2048xi32>
    %get3A_3 = vector.shape_cast %get3A_2 : vector<1x1x2048xi32> to vector<2048xi32>
    %iota3A = tpu.iota {dimensions = array<i32: 0>} : vector<64x2048xi32>
    %broadcast_in_dim3A = vector.shape_cast %get3A_3 : vector<2048xi32> to vector<1x2048xi32>
    %eq3A = vector.broadcast %broadcast_in_dim3A : vector<1x2048xi32> to vector<64x2048xi32>
    %eq3A_4 = arith.cmpi eq, %iota3A, %eq3A : vector<64x2048xi32>
    %jit3A = arith.constant 1.000000e+00 : f32
    %jit3A_5 = arith.constant 0.000000e+00 : f32
    %broadcast_in_dim3A_6 = vector.broadcast %jit3A : f32 to vector<64x2048xf32>
    %broadcast_in_dim3A_7 = vector.broadcast %jit3A_5 : f32 to vector<64x2048xf32>
    %select_n3A = arith.select %eq3A_4, %broadcast_in_dim3A_6, %broadcast_in_dim3A_7 : vector<64x2048xi1>, vector<64x2048xf32>
    %convert_element_type3A = arith.truncf %select_n3A : vector<64x2048xf32> to vector<64x2048xbf16>
    %get3A_8 = arith.constant 0 : index
    %get3A_9 = arith.constant 0 : index
    %get3A_10 = vector.load %arg2[%get3A_8, %get3A_9] : memref<16x4096xbf16, #tpu.memory_space<vmem>>, vector<16x2048xbf16>
    %slice3A = vector.extract_strided_slice %get3A_10 {offsets = [0, 0], sizes = [1, 2048], strides = [1, 1]} : vector<16x2048xbf16> to vector<1x2048xbf16>
    %mul3A = vector.broadcast %slice3A : vector<1x2048xbf16> to vector<64x2048xbf16>
    %mul3A_11 = arith.mulf %convert_element_type3A, %mul3A : vector<64x2048xbf16>
    %slice3A_12 = vector.extract_strided_slice %get3A_10 {offsets = [1, 0], sizes = [1, 2048], strides = [1, 1]} : vector<16x2048xbf16> to vector<1x2048xbf16>
    %mul3A_13 = vector.broadcast %slice3A_12 : vector<1x2048xbf16> to vector<64x2048xbf16>
    %mul3A_14 = arith.mulf %convert_element_type3A, %mul3A_13 : vector<64x2048xbf16>
    %slice3A_15 = vector.extract_strided_slice %get3A_10 {offsets = [2, 0], sizes = [1, 2048], strides = [1, 1]} : vector<16x2048xbf16> to vector<1x2048xbf16>
    %mul3A_16 = vector.broadcast %slice3A_15 : vector<1x2048xbf16> to vector<64x2048xbf16>
    %mul3A_17 = arith.mulf %convert_element_type3A, %mul3A_16 : vector<64x2048xbf16>
    %slice3A_18 = vector.extract_strided_slice %get3A_10 {offsets = [3, 0], sizes = [1, 2048], strides = [1, 1]} : vector<16x2048xbf16> to vector<1x2048xbf16>
    %mul3A_19 = vector.broadcast %slice3A_18 : vector<1x2048xbf16> to vector<64x2048xbf16>
    %mul3A_20 = arith.mulf %convert_element_type3A, %mul3A_19 : vector<64x2048xbf16>
    %slice3A_21 = vector.extract_strided_slice %get3A_10 {offsets = [4, 0], sizes = [1, 2048], strides = [1, 1]} : vector<16x2048xbf16> to vector<1x2048xbf16>
    %mul3A_22 = vector.broadcast %slice3A_21 : vector<1x2048xbf16> to vector<64x2048xbf16>
    %mul3A_23 = arith.mulf %convert_element_type3A, %mul3A_22 : vector<64x2048xbf16>
    %slice3A_24 = vector.extract_strided_slice %get3A_10 {offsets = [5, 0], sizes = [1, 2048], strides = [1, 1]} : vector<16x2048xbf16> to vector<1x2048xbf16>
    %mul3A_25 = vector.broadcast %slice3A_24 : vector<1x2048xbf16> to vector<64x2048xbf16>
    %mul3A_26 = arith.mulf %convert_element_type3A, %mul3A_25 : vector<64x2048xbf16>
    %slice3A_27 = vector.extract_strided_slice %get3A_10 {offsets = [6, 0], sizes = [1, 2048], strides = [1, 1]} : vector<16x2048xbf16> to vector<1x2048xbf16>
    %mul3A_28 = vector.broadcast %slice3A_27 : vector<1x2048xbf16> to vector<64x2048xbf16>
    %mul3A_29 = arith.mulf %convert_element_type3A, %mul3A_28 : vector<64x2048xbf16>
    %slice3A_30 = vector.extract_strided_slice %get3A_10 {offsets = [7, 0], sizes = [1, 2048], strides = [1, 1]} : vector<16x2048xbf16> to vector<1x2048xbf16>
    %mul3A_31 = vector.broadcast %slice3A_30 : vector<1x2048xbf16> to vector<64x2048xbf16>
    %mul3A_32 = arith.mulf %convert_element_type3A, %mul3A_31 : vector<64x2048xbf16>
    %slice3A_33 = vector.extract_strided_slice %get3A_10 {offsets = [8, 0], sizes = [1, 2048], strides = [1, 1]} : vector<16x2048xbf16> to vector<1x2048xbf16>
    %mul3A_34 = vector.broadcast %slice3A_33 : vector<1x2048xbf16> to vector<64x2048xbf16>
    %mul3A_35 = arith.mulf %convert_element_type3A, %mul3A_34 : vector<64x2048xbf16>
    %slice3A_36 = vector.extract_strided_slice %get3A_10 {offsets = [9, 0], sizes = [1, 2048], strides = [1, 1]} : vector<16x2048xbf16> to vector<1x2048xbf16>
    %mul3A_37 = vector.broadcast %slice3A_36 : vector<1x2048xbf16> to vector<64x2048xbf16>
    %mul3A_38 = arith.mulf %convert_element_type3A, %mul3A_37 : vector<64x2048xbf16>
    %slice3A_39 = vector.extract_strided_slice %get3A_10 {offsets = [10, 0], sizes = [1, 2048], strides = [1, 1]} : vector<16x2048xbf16> to vector<1x2048xbf16>
    %mul3A_40 = vector.broadcast %slice3A_39 : vector<1x2048xbf16> to vector<64x2048xbf16>
    %mul3A_41 = arith.mulf %convert_element_type3A, %mul3A_40 : vector<64x2048xbf16>
    %slice3A_42 = vector.extract_strided_slice %get3A_10 {offsets = [11, 0], sizes = [1, 2048], strides = [1, 1]} : vector<16x2048xbf16> to vector<1x2048xbf16>
    %mul3A_43 = vector.broadcast %slice3A_42 : vector<1x2048xbf16> to vector<64x2048xbf16>
    %mul3A_44 = arith.mulf %convert_element_type3A, %mul3A_43 : vector<64x2048xbf16>
    %slice3A_45 = vector.extract_strided_slice %get3A_10 {offsets = [12, 0], sizes = [1, 2048], strides = [1, 1]} : vector<16x2048xbf16> to vector<1x2048xbf16>
    %mul3A_46 = vector.broadcast %slice3A_45 : vector<1x2048xbf16> to vector<64x2048xbf16>
    %mul3A_47 = arith.mulf %convert_element_type3A, %mul3A_46 : vector<64x2048xbf16>
    %slice3A_48 = vector.extract_strided_slice %get3A_10 {offsets = [13, 0], sizes = [1, 2048], strides = [1, 1]} : vector<16x2048xbf16> to vector<1x2048xbf16>
    %mul3A_49 = vector.broadcast %slice3A_48 : vector<1x2048xbf16> to vector<64x2048xbf16>
    %mul3A_50 = arith.mulf %convert_element_type3A, %mul3A_49 : vector<64x2048xbf16>
    %slice3A_51 = vector.extract_strided_slice %get3A_10 {offsets = [14, 0], sizes = [1, 2048], strides = [1, 1]} : vector<16x2048xbf16> to vector<1x2048xbf16>
    %mul3A_52 = vector.broadcast %slice3A_51 : vector<1x2048xbf16> to vector<64x2048xbf16>
    %mul3A_53 = arith.mulf %convert_element_type3A, %mul3A_52 : vector<64x2048xbf16>
    %slice3A_54 = vector.extract_strided_slice %get3A_10 {offsets = [15, 0], sizes = [1, 2048], strides = [1, 1]} : vector<16x2048xbf16> to vector<1x2048xbf16>
    %mul3A_55 = vector.broadcast %slice3A_54 : vector<1x2048xbf16> to vector<64x2048xbf16>
    %mul3A_56 = arith.mulf %convert_element_type3A, %mul3A_55 : vector<64x2048xbf16>
    %concatenate3A = tpu.concatenate %mul3A_11, %mul3A_14, %mul3A_17, %mul3A_20, %mul3A_23, %mul3A_26, %mul3A_29, %mul3A_32, %mul3A_35, %mul3A_38, %mul3A_41, %mul3A_44, %mul3A_47, %mul3A_50, %mul3A_53, %mul3A_56 in 0 : vector<64x2048xbf16>, vector<64x2048xbf16>, vector<64x2048xbf16>, vector<64x2048xbf16>, vector<64x2048xbf16>, vector<64x2048xbf16>, vector<64x2048xbf16>, vector<64x2048xbf16>, vector<64x2048xbf16>, vector<64x2048xbf16>, vector<64x2048xbf16>, vector<64x2048xbf16>, vector<64x2048xbf16>, vector<64x2048xbf16>, vector<64x2048xbf16>, vector<64x2048xbf16> -> vector<1024x2048xbf16>
    %get3A_57 = arith.constant 0 : index
    %get3A_58 = arith.constant 0 : index
    %get3A_59 = vector.load %arg4[%get3A_57, %get3A_58] : memref<1024x64xbf16, #tpu.memory_space<vmem>>, vector<1024x64xbf16>
    %dot_general3A = arith.constant dense<0.000000e+00> : vector<2048x64xf32>
    %dot_general3A_60 = tpu.matmul %concatenate3A, %get3A_59, %dot_general3A {dimension_numbers = #tpu.dot_dimension_numbers<[0], [0], [1], [1], [0, 1, 1, 1], [], []>, transpose_lhs_hint = false} : vector<1024x2048xbf16>, vector<1024x64xbf16>, vector<2048x64xf32> -> vector<2048x64xf32>
    %get3A_61 = arith.constant 0 : index
    %get3A_62 = arith.constant 0 : index
    %get3A_63 = vector.load %arg3[%get3A_61, %get3A_62] : memref<4096x128xf32, #tpu.memory_space<vmem>>, vector<2048x128xf32>
    %slice3A_64 = vector.extract_strided_slice %get3A_63 {offsets = [0, 0], sizes = [2048, 64], strides = [1, 1]} : vector<2048x128xf32> to vector<2048x64xf32>
    %add3A = arith.addf %dot_general3A_60, %slice3A_64 : vector<2048x64xf32>
    %reduce_max3A = arith.constant dense<0xFF800000> : vector<2048xf32>
    %reduce_max3A_65 = vector.multi_reduction <maximumf>, %add3A, %reduce_max3A [1] : vector<2048x64xf32> to vector<2048xf32>
    %broadcast_in_dim3A_66 = vector.shape_cast %reduce_max3A_65 : vector<2048xf32> to vector<2048x1xf32>
    %sub3A = vector.broadcast %broadcast_in_dim3A_66 : vector<2048x1xf32> to vector<2048x64xf32>
    %sub3A_67 = arith.subf %add3A, %sub3A : vector<2048x64xf32>
    %exp3A = math.exp %sub3A_67 : vector<2048x64xf32>
    %reduce_sum3A = arith.constant dense<0.000000e+00> : vector<2048xf32>
    %reduce_sum3A_68 = vector.multi_reduction <add>, %exp3A, %reduce_sum3A [1] : vector<2048x64xf32> to vector<2048xf32>
    %broadcast_in_dim3A_69 = vector.shape_cast %reduce_sum3A_68 : vector<2048xf32> to vector<2048x1xf32>
    %log3A = math.log %broadcast_in_dim3A_69 : vector<2048x1xf32>
    %add3A_70 = arith.addf %log3A, %broadcast_in_dim3A_66 : vector<2048x1xf32>
    %sub3A_71 = vector.broadcast %add3A_70 : vector<2048x1xf32> to vector<2048x64xf32>
    %sub3A_72 = arith.subf %add3A, %sub3A_71 : vector<2048x64xf32>
    %swap3A = arith.constant 0 : index
    %swap3A_73 = arith.constant 0 : index
    %swap3A_74 = vector.load %arg5[%swap3A, %swap3A_73] : memref<4096x64xf32, #tpu.memory_space<vmem>>, vector<2048x64xf32>
    tpu.vector_store %arg5[%swap3A, %swap3A_73], %sub3A_72 {strides = array<i32>} : memref<4096x64xf32, #tpu.memory_space<vmem>>, vector<2048x64xf32>,
    %get3A_75 = arith.constant 0 : index
    %get3A_76 = arith.constant 0 : index
    %get3A_77 = arith.constant 2048 : index
    %get3A_78 = vector.load %arg1[%get3A_75, %get3A_76, %get3A_77] : memref<1x1x4096xi32, #tpu.memory_space<vmem>>, vector<1x1x2048xi32>
    %get3A_79 = vector.shape_cast %get3A_78 : vector<1x1x2048xi32> to vector<2048xi32>
    %iota3A_80 = tpu.iota {dimensions = array<i32: 0>} : vector<64x2048xi32>
    %broadcast_in_dim3A_81 = vector.shape_cast %get3A_79 : vector<2048xi32> to vector<1x2048xi32>
    %eq3A_82 = vector.broadcast %broadcast_in_dim3A_81 : vector<1x2048xi32> to vector<64x2048xi32>
    %eq3A_83 = arith.cmpi eq, %iota3A_80, %eq3A_82 : vector<64x2048xi32>
    %jit3A_84 = arith.constant 1.000000e+00 : f32
    %jit3A_85 = arith.constant 0.000000e+00 : f32
    %broadcast_in_dim3A_86 = vector.broadcast %jit3A_84 : f32 to vector<64x2048xf32>
    %broadcast_in_dim3A_87 = vector.broadcast %jit3A_85 : f32 to vector<64x2048xf32>
    %select_n3A_88 = arith.select %eq3A_83, %broadcast_in_dim3A_86, %broadcast_in_dim3A_87 : vector<64x2048xi1>, vector<64x2048xf32>
    %convert_element_type3A_89 = arith.truncf %select_n3A_88 : vector<64x2048xf32> to vector<64x2048xbf16>
    %get3A_90 = arith.constant 0 : index
    %get3A_91 = arith.constant 2048 : index
    %get3A_92 = vector.load %arg2[%get3A_90, %get3A_91] : memref<16x4096xbf16, #tpu.memory_space<vmem>>, vector<16x2048xbf16>
    %slice3A_93 = vector.extract_strided_slice %get3A_92 {offsets = [0, 0], sizes = [1, 2048], strides = [1, 1]} : vector<16x2048xbf16> to vector<1x2048xbf16>
    %mul3A_94 = vector.broadcast %slice3A_93 : vector<1x2048xbf16> to vector<64x2048xbf16>
    %mul3A_95 = arith.mulf %convert_element_type3A_89, %mul3A_94 : vector<64x2048xbf16>
    %slice3A_96 = vector.extract_strided_slice %get3A_92 {offsets = [1, 0], sizes = [1, 2048], strides = [1, 1]} : vector<16x2048xbf16> to vector<1x2048xbf16>
    %mul3A_97 = vector.broadcast %slice3A_96 : vector<1x2048xbf16> to vector<64x2048xbf16>
    %mul3A_98 = arith.mulf %convert_element_type3A_89, %mul3A_97 : vector<64x2048xbf16>
    %slice3A_99 = vector.extract_strided_slice %get3A_92 {offsets = [2, 0], sizes = [1, 2048], strides = [1, 1]} : vector<16x2048xbf16> to vector<1x2048xbf16>
    %mul3A_100 = vector.broadcast %slice3A_99 : vector<1x2048xbf16> to vector<64x2048xbf16>
    %mul3A_101 = arith.mulf %convert_element_type3A_89, %mul3A_100 : vector<64x2048xbf16>
    %slice3A_102 = vector.extract_strided_slice %get3A_92 {offsets = [3, 0], sizes = [1, 2048], strides = [1, 1]} : vector<16x2048xbf16> to vector<1x2048xbf16>
    %mul3A_103 = vector.broadcast %slice3A_102 : vector<1x2048xbf16> to vector<64x2048xbf16>
    %mul3A_104 = arith.mulf %convert_element_type3A_89, %mul3A_103 : vector<64x2048xbf16>
    %slice3A_105 = vector.extract_strided_slice %get3A_92 {offsets = [4, 0], sizes = [1, 2048], strides = [1, 1]} : vector<16x2048xbf16> to vector<1x2048xbf16>
    %mul3A_106 = vector.broadcast %slice3A_105 : vector<1x2048xbf16> to vector<64x2048xbf16>
    %mul3A_107 = arith.mulf %convert_element_type3A_89, %mul3A_106 : vector<64x2048xbf16>
    %slice3A_108 = vector.extract_strided_slice %get3A_92 {offsets = [5, 0], sizes = [1, 2048], strides = [1, 1]} : vector<16x2048xbf16> to vector<1x2048xbf16>
    %mul3A_109 = vector.broadcast %slice3A_108 : vector<1x2048xbf16> to vector<64x2048xbf16>
    %mul3A_110 = arith.mulf %convert_element_type3A_89, %mul3A_109 : vector<64x2048xbf16>
    %slice3A_111 = vector.extract_strided_slice %get3A_92 {offsets = [6, 0], sizes = [1, 2048], strides = [1, 1]} : vector<16x2048xbf16> to vector<1x2048xbf16>
    %mul3A_112 = vector.broadcast %slice3A_111 : vector<1x2048xbf16> to vector<64x2048xbf16>
    %mul3A_113 = arith.mulf %convert_element_type3A_89, %mul3A_112 : vector<64x2048xbf16>
    %slice3A_114 = vector.extract_strided_slice %get3A_92 {offsets = [7, 0], sizes = [1, 2048], strides = [1, 1]} : vector<16x2048xbf16> to vector<1x2048xbf16>
    %mul3A_115 = vector.broadcast %slice3A_114 : vector<1x2048xbf16> to vector<64x2048xbf16>
    %mul3A_116 = arith.mulf %convert_element_type3A_89, %mul3A_115 : vector<64x2048xbf16>
    %slice3A_117 = vector.extract_strided_slice %get3A_92 {offsets = [8, 0], sizes = [1, 2048], strides = [1, 1]} : vector<16x2048xbf16> to vector<1x2048xbf16>
    %mul3A_118 = vector.broadcast %slice3A_117 : vector<1x2048xbf16> to vector<64x2048xbf16>
    %mul3A_119 = arith.mulf %convert_element_type3A_89, %mul3A_118 : vector<64x2048xbf16>
    %slice3A_120 = vector.extract_strided_slice %get3A_92 {offsets = [9, 0], sizes = [1, 2048], strides = [1, 1]} : vector<16x2048xbf16> to vector<1x2048xbf16>
    %mul3A_121 = vector.broadcast %slice3A_120 : vector<1x2048xbf16> to vector<64x2048xbf16>
    %mul3A_122 = arith.mulf %convert_element_type3A_89, %mul3A_121 : vector<64x2048xbf16>
    %slice3A_123 = vector.extract_strided_slice %get3A_92 {offsets = [10, 0], sizes = [1, 2048], strides = [1, 1]} : vector<16x2048xbf16> to vector<1x2048xbf16>
    %mul3A_124 = vector.broadcast %slice3A_123 : vector<1x2048xbf16> to vector<64x2048xbf16>
    %mul3A_125 = arith.mulf %convert_element_type3A_89, %mul3A_124 : vector<64x2048xbf16>
    %slice3A_126 = vector.extract_strided_slice %get3A_92 {offsets = [11, 0], sizes = [1, 2048], strides = [1, 1]} : vector<16x2048xbf16> to vector<1x2048xbf16>
    %mul3A_127 = vector.broadcast %slice3A_126 : vector<1x2048xbf16> to vector<64x2048xbf16>
    %mul3A_128 = arith.mulf %convert_element_type3A_89, %mul3A_127 : vector<64x2048xbf16>
    %slice3A_129 = vector.extract_strided_slice %get3A_92 {offsets = [12, 0], sizes = [1, 2048], strides = [1, 1]} : vector<16x2048xbf16> to vector<1x2048xbf16>
    %mul3A_130 = vector.broadcast %slice3A_129 : vector<1x2048xbf16> to vector<64x2048xbf16>
    %mul3A_131 = arith.mulf %convert_element_type3A_89, %mul3A_130 : vector<64x2048xbf16>
    %slice3A_132 = vector.extract_strided_slice %get3A_92 {offsets = [13, 0], sizes = [1, 2048], strides = [1, 1]} : vector<16x2048xbf16> to vector<1x2048xbf16>
    %mul3A_133 = vector.broadcast %slice3A_132 : vector<1x2048xbf16> to vector<64x2048xbf16>
    %mul3A_134 = arith.mulf %convert_element_type3A_89, %mul3A_133 : vector<64x2048xbf16>
    %slice3A_135 = vector.extract_strided_slice %get3A_92 {offsets = [14, 0], sizes = [1, 2048], strides = [1, 1]} : vector<16x2048xbf16> to vector<1x2048xbf16>
    %mul3A_136 = vector.broadcast %slice3A_135 : vector<1x2048xbf16> to vector<64x2048xbf16>
    %mul3A_137 = arith.mulf %convert_element_type3A_89, %mul3A_136 : vector<64x2048xbf16>
    %slice3A_138 = vector.extract_strided_slice %get3A_92 {offsets = [15, 0], sizes = [1, 2048], strides = [1, 1]} : vector<16x2048xbf16> to vector<1x2048xbf16>
    %mul3A_139 = vector.broadcast %slice3A_138 : vector<1x2048xbf16> to vector<64x2048xbf16>
    %mul3A_140 = arith.mulf %convert_element_type3A_89, %mul3A_139 : vector<64x2048xbf16>
    %concatenate3A_141 = tpu.concatenate %mul3A_95, %mul3A_98, %mul3A_101, %mul3A_104, %mul3A_107, %mul3A_110, %mul3A_113, %mul3A_116, %mul3A_119, %mul3A_122, %mul3A_125, %mul3A_128, %mul3A_131, %mul3A_134, %mul3A_137, %mul3A_140 in 0 : vector<64x2048xbf16>, vector<64x2048xbf16>, vector<64x2048xbf16>, vector<64x2048xbf16>, vector<64x2048xbf16>, vector<64x2048xbf16>, vector<64x2048xbf16>, vector<64x2048xbf16>, vector<64x2048xbf16>, vector<64x2048xbf16>, vector<64x2048xbf16>, vector<64x2048xbf16>, vector<64x2048xbf16>, vector<64x2048xbf16>, vector<64x2048xbf16>, vector<64x2048xbf16> -> vector<1024x2048xbf16>
    %get3A_142 = arith.constant 0 : index
    %get3A_143 = arith.constant 0 : index
    %get3A_144 = vector.load %arg4[%get3A_142, %get3A_143] : memref<1024x64xbf16, #tpu.memory_space<vmem>>, vector<1024x64xbf16>
    %dot_general3A_145 = arith.constant dense<0.000000e+00> : vector<2048x64xf32>
    %dot_general3A_146 = tpu.matmul %concatenate3A_141, %get3A_144, %dot_general3A_145 {dimension_numbers = #tpu.dot_dimension_numbers<[0], [0], [1], [1], [0, 1, 1, 1], [], []>, transpose_lhs_hint = false} : vector<1024x2048xbf16>, vector<1024x64xbf16>, vector<2048x64xf32> -> vector<2048x64xf32>
    %get3A_147 = arith.constant 2048 : index
    %get3A_148 = arith.constant 0 : index
    %get3A_149 = vector.load %arg3[%get3A_147, %get3A_148] : memref<4096x128xf32, #tpu.memory_space<vmem>>, vector<2048x128xf32>
    %slice3A_150 = vector.extract_strided_slice %get3A_149 {offsets = [0, 0], sizes = [2048, 64], strides = [1, 1]} : vector<2048x128xf32> to vector<2048x64xf32>
    %add3A_151 = arith.addf %dot_general3A_146, %slice3A_150 : vector<2048x64xf32>
    %reduce_max3A_152 = arith.constant dense<0xFF800000> : vector<2048xf32>
    %reduce_max3A_153 = vector.multi_reduction <maximumf>, %add3A_151, %reduce_max3A_152 [1] : vector<2048x64xf32> to vector<2048xf32>
    %broadcast_in_dim3A_154 = vector.shape_cast %reduce_max3A_153 : vector<2048xf32> to vector<2048x1xf32>
    %sub3A_155 = vector.broadcast %broadcast_in_dim3A_154 : vector<2048x1xf32> to vector<2048x64xf32>
    %sub3A_156 = arith.subf %add3A_151, %sub3A_155 : vector<2048x64xf32>
    %exp3A_157 = math.exp %sub3A_156 : vector<2048x64xf32>
    %reduce_sum3A_158 = arith.constant dense<0.000000e+00> : vector<2048xf32>
    %reduce_sum3A_159 = vector.multi_reduction <add>, %exp3A_157, %reduce_sum3A_158 [1] : vector<2048x64xf32> to vector<2048xf32>
    %broadcast_in_dim3A_160 = vector.shape_cast %reduce_sum3A_159 : vector<2048xf32> to vector<2048x1xf32>
    %log3A_161 = math.log %broadcast_in_dim3A_160 : vector<2048x1xf32>
    %add3A_162 = arith.addf %log3A_161, %broadcast_in_dim3A_154 : vector<2048x1xf32>
    %sub3A_163 = vector.broadcast %add3A_162 : vector<2048x1xf32> to vector<2048x64xf32>
    %sub3A_164 = arith.subf %add3A_151, %sub3A_163 : vector<2048x64xf32>
    %swap3A_165 = arith.constant 2048 : index
    %swap3A_166 = arith.constant 0 : index
    %swap3A_167 = vector.load %arg5[%swap3A_165, %swap3A_166] : memref<4096x64xf32, #tpu.memory_space<vmem>>, vector<2048x64xf32>
    tpu.vector_store %arg5[%swap3A_165, %swap3A_166], %sub3A_164 {strides = array<i32>} : memref<4096x64xf32, #tpu.memory_space<vmem>>, vector<2048x64xf32>,
    return
  }
  func.func @transform_0(%arg0: i32) -> (i32, i32, i32) {
    %c0_i32 = arith.constant 0 : i32
    %c0_i32_0 = arith.constant 0 : i32
    %c0_i32_1 = arith.constant 0 : i32
    return %arg0, %c0_i32, %c0_i32_0 : i32, i32, i32
  }
  func.func @transform_1(%arg0: i32) -> (i32, i32) {
    %c0_i32 = arith.constant 0 : i32
    %c0_i32_0 = arith.constant 0 : i32
    return %c0_i32, %arg0 : i32, i32
  }
  func.func @transform_2(%arg0: i32) -> (i32, i32) {
    %c0_i32 = arith.constant 0 : i32
    %c0_i32_0 = arith.constant 0 : i32
    return %arg0, %c0_i32 : i32, i32
  }
  func.func @transform_3(%arg0: i32) -> (i32, i32) {
    %c0_i32 = arith.constant 0 : i32
    %c0_i32_0 = arith.constant 0 : i32
    %c0_i32_1 = arith.constant 0 : i32
    return %c0_i32, %c0_i32_0 : i32, i32
  }
  func.func @transform_4(%arg0: i32) -> (i32, i32) {
    %c0_i32 = arith.constant 0 : i32
    %c0_i32_0 = arith.constant 0 : i32
    return %arg0, %c0_i32 : i32, i32
  }
}

</mosaic_0001>

<sc_bundles>
// kernel: kernel.4.cloned.1.call-start
scs
__scs_entry_jumppad:
0x0: {  	(pc) =	sbr.rel $0x88, $3  }
0x1: {  	(tag) =	ssettag $0x0;
	lr =	simm.s32 $0x1  }
0x2: {  	[smem:$0x3F9D] =	sst lr;
	_ =	strace $0xD0000000  }
0x3: {  	_ = 	snop  }
0x4: {  	_ = 	snop  }
0x5: {  	_ = 	snop  }
0x6: {  	_ = 	snop  }
0x7: {  	_ = 	snop  }
__scs_overlays_trampoline_lowered:
0x8: {  	[smem:$0x3FAC] =	sst s0  }
0x9: {  	[smem:$0x3FAD] =	sst s1  }
0xa: {  	[smem:$0x3FAE] =	sst s2  }
0xb: {  	[smem:$0x3FAF] =	sst s3  }
0xc: {  	[smem:$0x3FB0] =	sst s4  }
0xd: {  	[smem:$0x3FB1] =	sst s5  }
0xe: {  	[smem:$0x3FB2] =	sst s6  }
0xf: {  	[smem:$0x3FB3] =	sst s7  }
0x10: {  	[smem:$0x3FB4] =	sst s8  }
0x11: {  	[smem:$0x3FB5] =	sst s9;
	s0 =	simm.s32 @!p0 $0x0  }
0x12: {  	s1 =	sld [smem:$0x3F9B];
	s0 =	simm.s32 @p0 $0x1  }
0x13: {  	[smem:$0x3FB6] =	sst s0;
	s0 =	simm.s32 @!p1 $0x0  }
0x14: {  	s2 =	sld [smem:$0x3F9A];
	s0 =	simm.s32 @p1 $0x1  }
0x15: {  	[smem:$0x3FB7] =	sst s0;
	s0 =	simm.s32 @!p2 $0x0  }
0x16: {  	s3 =	sld [smem:$0x3FDB];
	s0 =	simm.s32 @p2 $0x1  }
0x17: {  	s4 =	simm.s32 $0x1BF5;
	[smem:$0x3FB9] =	sst s0  }
0x18: {  	s0 =	sld [smem:$0x3F9C];
	_ =	swait.ge [sflag:s4], $0x0  }
0x19: {  	s7 =	sld [smem:$0x3F9D]  }
0x1a: {  	s8 =	sadd.s32 $0xFFFFE003, lr  }
0x1b: {  	s9 =	sadd.s32 $0xFFFFFEF7, lr;
	s5 =	simm.s32 $0xFFFFFFFF;
	p2 =	slt.u32 s8, $0xFFFFF086  }
0x1c: {  	p1 =	slt.u32 s9, $0xF7A;
	s5 =	simm.s32 @!p2 $0x0  }
0x1d: {  	s5 =	simm.s32 @p1 $0x1;
	p0 =	seq.s32 s7, s2  }
0x1e: {  	s7 =	smul.u32 @!p0 $0xF7A, s2;
	p2 =	seq.s32 @!p0 s5, $0x0  }
0x1f: {  	s9 =	smul.u32 $0xF7A, s1;
	s8 =	simm.s32 @!p0 $0x1BF5;
	p2 =	por !p2, p0  }
0x20: {  	[sflag:s8] =	ssyncset.s32 @!p0 $0xFFFFF086;
	s6 =	sadd.s32 @!p0 s3, s7;
	s7 =	simm.s32 @!p0 $0x108  }
0x21: {  	s3 =	sadd.s32 s3, s9;
	s6 =	sadd.s32 @!p0 $0x88, s6;
	s7 =	simm.s32 @p2 $0x1082  }
0x22: {  	[simem:s7], [sflag:s8] =	dma.local @!p0 [hbm:s6], $0xF7A  }
0x23: {  	s9 =	sor.u32 $0xD0000000, s2;
	s6 =	simm.s32 $0x108;
	_ =	swait.ge @!p0 [sflag:s8], $0x0  }
0x24: {  	s3 =	sadd.s32 $0x88, s3;
	s6 =	simm.s32 @!p1 $0x1082;
	[sflag:s4] =	ssyncset.s32 $0xFFFFF086  }
0x25: {  	[simem:s6], [sflag:s4] =	dma.local [hbm:s3], $0xF7A  }
0x26: {  	[smem:$0x3F9D] =	sst s1;
	(tag) =	ssettag s2;
	_ =	strace s9  }
0x27: {  	s1 =	sld [smem:$0x3FAD]  }
0x28: {  	s2 =	sld [smem:$0x3FAE]  }
0x29: {  	s4 =	sld [smem:$0x3FB0]  }
0x2a: {  	p0 =	seq.s32 s5, $0x0;
	s5 =	sld [smem:$0x3FB1]  }
0x2b: {  	s6 =	sld [smem:$0x3FB2]  }
0x2c: {  	s7 =	sld [smem:$0x3FB3]  }
0x2d: {  	s3 =	simm.s32 $0x108;
	s8 =	sld [smem:$0x3FB4]  }
0x2e: {  	s3 =	simm.s32 @!p0 $0x1082;
	s9 =	sld [smem:$0x3FB5]  }
0x2f: {  	lr =	sadd.s32 s0, s3;
	s0 =	sld [smem:$0x3FAC]  }
0x30: {  	s3 =	sld [smem:$0x3FAF]  }
0x31: {  	[smem:$0x3FB8] =	sst s10  }
0x32: {  	s10 =	sld [smem:$0x3FB6];
	_ =	sdelay $0x3  }
0x33: {  	p0 =	seq.s32 s10, $0x1;
	s10 =	sld [smem:$0x3FB8];
	_ =	sdelay $0x3  }
0x34: {  	[smem:$0x3FB8] =	sst s10  }
0x35: {  	s10 =	sld [smem:$0x3FB7];
	_ =	sdelay $0x3  }
0x36: {  	p1 =	seq.s32 s10, $0x1;
	s10 =	sld [smem:$0x3FB8];
	_ =	sdelay $0x3  }
0x37: {  	[smem:$0x3FB8] =	sst s10  }
0x38: {  	s10 =	sld [smem:$0x3FB9]  }
0x39: {  	_ = 	snop;
	(pc) =	sbr.ind lr, $3  }
0x3a: {  	_ = 	snop  }
0x3b: {  	_ = 	snop  }
0x3c: {  	p2 =	seq.s32 s10, $0x1;
	s10 =	sld [smem:$0x3FB8]  }
0x3d: {  	_ =	shalt  }
0x3e: {  	_ =	shalt  }
0x3f: {  	_ =	shalt  }
0x40: {  	_ =	shalt  }
0x41: {  	_ =	shalt  }
0x42: {  	_ =	shalt  }
0x43: {  	_ =	shalt  }
0x44: {  	_ =	shalt  }
0x45: {  	_ =	shalt  }
0x46: {  	_ =	shalt  }
0x47: {  	_ =	shalt  }
0x48: {  	_ =	shalt  }
0x49: {  	_ =	shalt  }
0x4a: {  	_ =	shalt  }
0x4b: {  	_ =	shalt  }
0x4c: {  	_ =	shalt  }
0x4d: {  	_ =	shalt  }
0x4e: {  	_ =	shalt  }
0x4f: {  	_ =	shalt  }
0x50: {  	_ =	shalt  }
0x51: {  	_ =	shalt  }
0x52: {  	_ =	shalt  }
0x53: {  	_ =	shalt  }
0x54: {  	_ =	shalt  }
0x55: {  	_ =	shalt  }
0x56: {  	_ =	shalt  }
0x57: {  	_ =	shalt  }
0x58: {  	_ =	shalt  }
0x59: {  	_ =	shalt  }
0x5a: {  	_ =	shalt  }
0x5b: {  	_ =	shalt  }
0x5c: {  	_ =	shalt  }
0x5d: {  	_ =	shalt  }
0x5e: {  	_ =	shalt  }
0x5f: {  	_ =	shalt  }
0x60: {  	_ =	shalt  }
0x61: {  	_ =	shalt  }
0x62: {  	_ =	shalt  }
0x63: {  	_ =	shalt  }
0x64: {  	_ =	shalt  }
0x65: {  	_ =	shalt  }
0x66: {  	_ =	shalt  }
0x67: {  	_ =	shalt  }
0x68: {  	_ =	shalt  }
0x69: {  	_ =	shalt  }
0x6a: {  	_ =	shalt  }
0x6b: {  	_ =	shalt  }
0x6c: {  	_ =	shalt  }
0x6d: {  	_ =	shalt  }
0x6e: {  	_ =	shalt  }
0x6f: {  	_ =	shalt  }
0x70: {  	_ =	shalt  }
0x71: {  	_ =	shalt  }
0x72: {  	_ =	shalt  }
0x73: {  	_ =	shalt  }
0x74: {  	_ =	shalt  }
0x75: {  	_ =	shalt  }
0x76: {  	_ =	shalt  }
0x77: {  	_ =	shalt  }
0x78: {  	_ =	shalt  }
0x79: {  	_ =	shalt  }
0x7a: {  	_ =	shalt  }
0x7b: {  	_ =	shalt  }
0x7c: {  	_ =	shalt  }
0x7d: {  	_ =	shalt  }
0x7e: {  	_ =	shalt  }
0x7f: {  	_ =	shalt  }
0x80: {  	_ =	shalt  }
0x81: {  	_ =	shalt  }
0x82: {  	_ =	shalt  }
0x83: {  	_ =	shalt  }
0x84: {  	_ =	shalt  }
0x85: {  	_ =	shalt  }
0x86: {  	_ =	shalt  }
0x87: {  	_ =	shalt  }
.Lfunc_end0:
.L_simem_size_0:
called_computation_lowered:
.L_overlay_start_0:
0x88: {  	s2 =	sld [smem:$0x3FD9]  }
0x89: {  	s3 =	sld [smem:$0x3FFE];
	_ =	sdelay $0x1  }
0x8a: {  	s1 =	srdreg.scid  }
0x8b: {  	s0 =	sand.u32 $0x1, s1  }
0x8c: {  	s17 =	sshll.u32 s0, $0xA;
	s2 =	sadd.s32 s3, s2  }
0x8d: {  	s2 =	sadd.s32 s2, s17  }
0x8e: {  	[smem:$0x3FC4] =	sst s2  }
0x8f: {  	_ = 	snop  }
0x90: {  	s2 =	sld [smem:$0x3FC9]  }
0x91: {  	s18 =	sld [smem:$0x3FD0];
	(tm) =	ssettm $0x1  }
0x92: {  	s4 =	sld [smem:$0x3FFB];
	_ =	sdelay $0x3  }
0x93: {  	_ =	strace s4  }
0x94: {  	s4 =	sld [smem:$0x3FFC];
	_ =	sdelay $0x3  }
0x95: {  	_ =	strace s4  }
0x96: {  	s4 =	sld [smem:$0x3FFD];
	_ =	sdelay $0x3  }
0x97: {  	_ =	strace s4  }
0x98: {  	_ =	strace $0x8FFFFFFF  }
0x99: {  	s19 =	sld [smem:$0x3FDB];
	_ =	sdelay $0x1  }
0x9a: {  	s5 =	simm.s32 $_scs_section_size  }
0x9b: {  	s6 =	simm.s32 $_size__tile_overlayer_lowered;
	s7 =	simm.s32 $_tile_overlayer_lowered  }
0x9c: {  	s22 =	simm.s32 $0x1BFF;
	s21 =	sshll.u32 s7, $0x1;
	s4 =	sadd.s32 s5, s19  }
0x9d: {  	s8 =	simm.s32 $0x0;
	s20 =	sshll.u32 s6, $0x1;
	s6 =	sadd.s32 s21, s4  }
0x9e: {  	[timem:s8], [sflag:s22] =	dma.local [hbm:s6], s20  }
0x9f: {  	_ =	swait.ge [sflag:s22], s20  }
0xa0: {  	s5 =	ssub.s32 $0x0, s20;
	[sflag:s22] =	ssyncset.done $0x0  }
0xa1: {  	[sflag:s22] =	ssyncadd.s32 s5;
	_ =	sdelay $0x1  }
0xa2: {  	s23 =	simm.s32 $0x1B8B  }
0xa3: {  	_ =	swait.ge [sflag:s23], $0x1  }
0xa4: {  	[sflag:s23] =	ssyncset.done $0x0  }
0xa5: {  	s25 =	simm.s32 $0x1B8E;
	s24 =	sld [smem:$0x3FFE];
	[sflag:s23] =	ssyncadd.s32 $0xFFFFFFFF  }
0xa6: {  	s26 =	simm.s32 $execute0_lowered;
	[smem:$0x3FD2] =	sst s25  }
0xa7: {  	s6 =	sshll.u32 s26, $0x1;
	_ =	strace $0x80000046;
	[dreg:$0x1] =	wrdreg $0xFFFFFFFF  }
0xa8: {  	s28 =	simm.s32 $_size_execute0_lowered;
	s4 =	sadd.s32 s4, s6;
	[dreg:$0x0] =	wrdreg $0x0  }
0xa9: {  	s6 =	sshll.u32 s28, $0x1;
	[dreg:$0x2] =	wrdreg s4  }
0xaa: {  	[dreg:$0x3] =	wrdreg s6  }
0xab: {  	[dreg:$0x4] =	wrdreg $0xC0  }
0xac: {  	_ =	task [dreg:s8], $0x5FFFF  }
0xad: {  	[dreg:$0x1] =	wrdreg $0xFFFFFFFF  }
0xae: {  	[dreg:$0x0] =	wrdreg $0x60  }
0xaf: {  	[dreg:$0x2] =	wrdreg s18  }
0xb0: {  	[dreg:$0x3] =	wrdreg s2  }
0xb1: {  	[dreg:$0x4] =	wrdreg s24  }
0xb2: {  	[dreg:$0x5] =	wrdreg $0x9  }
0xb3: {  	_ =	task.clear_ibuf [dreg:s8], $0x6FFFF;
	_ =	strace $0x90000046  }
0xb4: {  	s29 =	simm.s32 $0x9;
	_ =	strace $0x80000048  }
0xb5: {  	_ =	swait.ge [sflag:s29], $0x1  }
0xb6: {  	[sflag:s29] =	ssyncadd.s32 $0xFFFFFFFF  }
0xb7: {  	_ =	strace $0x90000048  }
0xb8: {  	_ =	sfence  }
0xb9: {  	s30 =	sld [smem:$0x0];
	_ =	sdelay $0x2  }
0xba: {  	s31 =	sshll.u32 s1, $0xD;
	s1 =	sshrl.u32 s1, $0x2  }
0xbb: {  	s3 =	sand.u32 $0x4000, s31;
	s1 =	sadd.s32 s1, s30  }
0xbc: {  	s0 =	sor.u32 s3, s0;
	s1 =	sshll.u32 s1, $0x11  }
0xbd: {  	s0 =	sor.u32 s1, s0  }
0xbe: {  	s0 =	sadd.s32 $0x8F2B, s0  }
0xbf: {  	[sflag:s0] =	ssyncadd.remote.s32 $0x1  }
0xc0: {  	_ =	sfence.sel $0xFFFF  }
0xc1: {  	[dreg:$0x0] =	wrdreg $0xFFFFFFFF;
	(pc) =	sbr.abs _section_cstart, $3  }
0xc2: {  	[dreg:$0x1] =	wrdreg $0xFFFFFFFF  }
0xc3: {  	_ =	task.clear_ibuf [dreg:s8], $0x2FFFF;
	_ =	strace $0x9FFFFFFF  }
0xc4: {  	(tm) =	ssettm $0x7FFFFFFF  }
0xc5: {  	_ =	shalt  }
tec
execute0_lowered:
.L_overlay_start_1:
0x0: {  	(tag) =	ssettag $0x1  }
0x1: {  	s2 =	rddreg [dreg:$0x0]  }
0x2: {  	s31 =	rddreg [dreg:$0x1];
	s1 =	srdreg.scid  }
0x3: {  	s4 =	rddreg [dreg:$0x2];
	s0 =	stileid.u32;
	s1 =	sand.u32 $0x1, s1  }
0x4: {  	s3 =	simm.s32 $0x0;
	s5 =	sshll.u32 s0, $0xE;
	s6 =	sshll.u32 s1, $0xD  }
0x5: {  	[smem:$0x7FF] =	sst s3;
	s30 =	sor.u32 s6, s5  }
0x6: {  	s0 =	sadd.s32 $0xA00, s4;
	_ =	strace $0x80000047;
	s5 =	sshrl.u32 s30, $0x3  }
0x7: {  	s7 =	sshll.u32 s30, $0x4;
	s9 =	sor.u32 $0x200, s30;
	s6 =	sadd.s32 s31, s5  }
0x8: {  	s8 =	sadd.s32 s0, s7;
	s10 =	sshrl.u32 s9, $0x3;
	[dreg:$0x4] =	wrdreg s6  }
0x9: {  	s5 =	sshll.u32 s9, $0x4;
	[dreg:$0x5] =	wrdreg s8;
	s4 =	sadd.s32 s31, s10  }
0xa: {  	s16 =	sor.u32 $0x600, s30;
	s11 =	sadd.s32 s0, s5;
	[dreg:$0x6] =	wrdreg s4  }
0xb: {  	s17 =	sshrl.u32 s16, $0x3;
	s6 =	sor.u32 $0x400, s30;
	[dreg:$0x7] =	wrdreg s11  }
0xc: {  	s5 =	sshll.u32 s16, $0x4;
	s4 =	sadd.s32 s31, s17;
	s18 =	rddreg [dreg:$0x4]  }
0xd: {  	s12 =	sshrl.u32 s6, $0x3;
	s19 =	sadd.s32 s0, s5;
	[dreg:$0xa] =	wrdreg s4  }
0xe: {  	s14 =	sshll.u32 s6, $0x4;
	s13 =	sadd.s32 s31, s12;
	[dreg:$0xb] =	wrdreg s19  }
0xf: {  	[tilespmem:s3], [sflag:$0x2] =	stream.linear.gather [hbm4b:s18+s3], $0x200, $0x38;
	[tilespmem:$0x10200] =	vst v63  }
0x10: {  	s15 =	sadd.s32 s0, s14;
	[dreg:$0x8] =	wrdreg s13  }
0x11: {  	s4 =	simm.s32 $0x2;
	[dreg:$0x9] =	wrdreg s15  }
0x12: {  	_ =	swait.ge [sflag:s4], $0x200  }
0x13: {  	[sflag:s4] =	ssyncset.done $0x0  }
0x14: {  	s5 =	simm.s32 $0x200;
	s6 =	simm.s32 $0x1;
	[sflag:s4] =	ssyncadd.s32 $0xFFFFFE00  }
0x15: {  	[tilespmem:s5], [sflag:$0x1] =	stream.indirect.gather [hbm4b:s2+s5], $0x80, s3, s5, $0xb8;
	[tilespmem:$0x10200] =	vst v63  }
0x16: {  	_ =	swait.ge [sflag:s6], $0x10000  }
0x17: {  	[sflag:s6] =	ssyncset.done $0x0  }
0x18: {  	s7 =	rddreg [dreg:$0x5];
	[sflag:s6] =	ssyncadd.s32 $0xFFFF0000  }
0x19: {  	[hbm4b:s7+s3] =	stream.linear.scatter [tilespmem:s5], [sflag:$0x2], $0x10000, $0x38;
	[tilespmem:$0x10200] =	vst v63  }
0x1a: {  	_ =	swait.ge [sflag:s4], $0x10000  }
0x1b: {  	[sflag:s4] =	ssyncset.done $0x0  }
0x1c: {  	s20 =	rddreg [dreg:$0x6];
	[sflag:s4] =	ssyncadd.s32 $0xFFFF0000  }
0x1d: {  	[tilespmem:s3], [sflag:$0x2] =	stream.linear.gather [hbm4b:s20+s3], $0x200, $0x38;
	[tilespmem:$0x10200] =	vst v63  }
0x1e: {  	_ =	swait.ge [sflag:s4], $0x200  }
0x1f: {  	[sflag:s4] =	ssyncset.done $0x0  }
0x20: {  	[sflag:s4] =	ssyncadd.s32 $0xFFFFFE00  }
0x21: {  	[tilespmem:s5], [sflag:$0x1] =	stream.indirect.gather [hbm4b:s2+s5], $0x80, s3, s5, $0xb8;
	[tilespmem:$0x10200] =	vst v63  }
0x22: {  	_ =	swait.ge [sflag:s6], $0x10000  }
0x23: {  	[sflag:s6] =	ssyncset.done $0x0  }
0x24: {  	s21 =	rddreg [dreg:$0x7];
	[sflag:s6] =	ssyncadd.s32 $0xFFFF0000  }
0x25: {  	[hbm4b:s21+s3] =	stream.linear.scatter [tilespmem:s5], [sflag:$0x2], $0x10000, $0x38;
	[tilespmem:$0x10200] =	vst v63  }
0x26: {  	_ =	swait.ge [sflag:s4], $0x10000  }
0x27: {  	[sflag:s4] =	ssyncset.done $0x0  }
0x28: {  	s22 =	rddreg [dreg:$0x8];
	[sflag:s4] =	ssyncadd.s32 $0xFFFF0000  }
0x29: {  	[tilespmem:s3], [sflag:$0x2] =	stream.linear.gather [hbm4b:s22+s3], $0x200, $0x38;
	[tilespmem:$0x10200] =	vst v63  }
0x2a: {  	_ =	swait.ge [sflag:s4], $0x200  }
0x2b: {  	[sflag:s4] =	ssyncset.done $0x0  }
0x2c: {  	[sflag:s4] =	ssyncadd.s32 $0xFFFFFE00  }
0x2d: {  	[tilespmem:s5], [sflag:$0x1] =	stream.indirect.gather [hbm4b:s2+s5], $0x80, s3, s5, $0xb8;
	[tilespmem:$0x10200] =	vst v63  }
0x2e: {  	_ =	swait.ge [sflag:s6], $0x10000  }
0x2f: {  	[sflag:s6] =	ssyncset.done $0x0  }
0x30: {  	s23 =	rddreg [dreg:$0x9];
	[sflag:s6] =	ssyncadd.s32 $0xFFFF0000  }
0x31: {  	[hbm4b:s23+s3] =	stream.linear.scatter [tilespmem:s5], [sflag:$0x2], $0x10000, $0x38;
	[tilespmem:$0x10200] =	vst v63  }
0x32: {  	_ =	swait.ge [sflag:s4], $0x10000  }
0x33: {  	[sflag:s4] =	ssyncset.done $0x0  }
0x34: {  	s24 =	rddreg [dreg:$0xa];
	[sflag:s4] =	ssyncadd.s32 $0xFFFF0000  }
0x35: {  	[tilespmem:s3], [sflag:$0x2] =	stream.linear.gather [hbm4b:s24+s3], $0x200, $0x38;
	[tilespmem:$0x10200] =	vst v63  }
0x36: {  	_ =	swait.ge [sflag:s4], $0x200  }
0x37: {  	[sflag:s4] =	ssyncset.done $0x0  }
0x38: {  	[sflag:s4] =	ssyncadd.s32 $0xFFFFFE00  }
0x39: {  	[tilespmem:s5], [sflag:$0x1] =	stream.indirect.gather [hbm4b:s2+s5], $0x80, s3, s5, $0xb8;
	[tilespmem:$0x10200] =	vst v63  }
0x3a: {  	_ =	swait.ge [sflag:s6], $0x10000  }
0x3b: {  	[sflag:s6] =	ssyncset.done $0x0  }
0x3c: {  	s25 =	rddreg [dreg:$0xb];
	[sflag:s6] =	ssyncadd.s32 $0xFFFF0000  }
0x3d: {  	[hbm4b:s25+s3] =	stream.linear.scatter [tilespmem:s5], [sflag:$0x2], $0x10000, $0x38;
	[tilespmem:$0x10200] =	vst v63  }
0x3e: {  	s8 =	sor.u32 $0x800, s30;
	_ =	swait.ge [sflag:s4], $0x10000  }
0x3f: {  	s26 =	sshrl.u32 s8, $0x3;
	[sflag:s4] =	ssyncset.done $0x0  }
0x40: {  	s7 =	sadd.s32 s31, s26;
	[sflag:s4] =	ssyncadd.s32 $0xFFFF0000  }
0x41: {  	[tilespmem:s3], [sflag:$0x2] =	stream.linear.gather [hbm4b:s7+s3], $0x200, $0x38;
	[tilespmem:$0x10200] =	vst v63  }
0x42: {  	_ =	swait.ge [sflag:s4], $0x200  }
0x43: {  	[sflag:s4] =	ssyncset.done $0x0  }
0x44: {  	[sflag:s4] =	ssyncadd.s32 $0xFFFFFE00  }
0x45: {  	[tilespmem:s5], [sflag:$0x1] =	stream.indirect.gather [hbm4b:s2+s5], $0x80, s3, s5, $0xb8;
	[tilespmem:$0x10200] =	vst v63  }
0x46: {  	_ =	swait.ge [sflag:s6], $0x10000  }
0x47: {  	s8 =	sshll.u32 s8, $0x4;
	[sflag:s6] =	ssyncset.done $0x0  }
0x48: {  	s8 =	sadd.s32 s0, s8;
	[sflag:s6] =	ssyncadd.s32 $0xFFFF0000  }
0x49: {  	[hbm4b:s8+s3] =	stream.linear.scatter [tilespmem:s5], [sflag:$0x2], $0x10000, $0x38;
	[tilespmem:$0x10200] =	vst v63  }
0x4a: {  	s10 =	sor.u32 $0xA00, s30;
	_ =	swait.ge [sflag:s4], $0x10000  }
0x4b: {  	s9 =	sshrl.u32 s10, $0x3;
	[sflag:s4] =	ssyncset.done $0x0  }
0x4c: {  	s9 =	sadd.s32 s31, s9;
	[sflag:s4] =	ssyncadd.s32 $0xFFFF0000  }
0x4d: {  	[tilespmem:s3], [sflag:$0x2] =	stream.linear.gather [hbm4b:s9+s3], $0x200, $0x38;
	[tilespmem:$0x10200] =	vst v63  }
0x4e: {  	_ =	swait.ge [sflag:s4], $0x200  }
0x4f: {  	[sflag:s4] =	ssyncset.done $0x0  }
0x50: {  	[sflag:s4] =	ssyncadd.s32 $0xFFFFFE00  }
0x51: {  	[tilespmem:s5], [sflag:$0x1] =	stream.indirect.gather [hbm4b:s2+s5], $0x80, s3, s5, $0xb8;
	[tilespmem:$0x10200] =	vst v63  }
0x52: {  	_ =	swait.ge [sflag:s6], $0x10000  }
0x53: {  	s10 =	sshll.u32 s10, $0x4;
	[sflag:s6] =	ssyncset.done $0x0  }
0x54: {  	s10 =	sadd.s32 s0, s10;
	[sflag:s6] =	ssyncadd.s32 $0xFFFF0000  }
0x55: {  	[hbm4b:s10+s3] =	stream.linear.scatter [tilespmem:s5], [sflag:$0x2], $0x10000, $0x38;
	[tilespmem:$0x10200] =	vst v63  }
0x56: {  	s12 =	sor.u32 $0xC00, s30;
	_ =	swait.ge [sflag:s4], $0x10000  }
0x57: {  	s11 =	sshrl.u32 s12, $0x3;
	[sflag:s4] =	ssyncset.done $0x0  }
0x58: {  	s11 =	sadd.s32 s31, s11;
	[sflag:s4] =	ssyncadd.s32 $0xFFFF0000  }
0x59: {  	[tilespmem:s3], [sflag:$0x2] =	stream.linear.gather [hbm4b:s11+s3], $0x200, $0x38;
	[tilespmem:$0x10200] =	vst v63  }
0x5a: {  	_ =	swait.ge [sflag:s4], $0x200  }
0x5b: {  	[sflag:s4] =	ssyncset.done $0x0  }
0x5c: {  	[sflag:s4] =	ssyncadd.s32 $0xFFFFFE00  }
0x5d: {  	[tilespmem:s5], [sflag:$0x1] =	stream.indirect.gather [hbm4b:s2+s5], $0x80, s3, s5, $0xb8;
	[tilespmem:$0x10200] =	vst v63  }
0x5e: {  	_ =	swait.ge [sflag:s6], $0x10000  }
0x5f: {  	s12 =	sshll.u32 s12, $0x4;
	[sflag:s6] =	ssyncset.done $0x0  }
0x60: {  	s12 =	sadd.s32 s0, s12;
	[sflag:s6] =	ssyncadd.s32 $0xFFFF0000  }
0x61: {  	[hbm4b:s12+s3] =	stream.linear.scatter [tilespmem:s5], [sflag:$0x2], $0x10000, $0x38;
	[tilespmem:$0x10200] =	vst v63  }
0x62: {  	s14 =	sor.u32 $0xE00, s30;
	_ =	swait.ge [sflag:s4], $0x10000  }
0x63: {  	s13 =	sshrl.u32 s14, $0x3;
	[sflag:s4] =	ssyncset.done $0x0  }
0x64: {  	s13 =	sadd.s32 s31, s13;
	[sflag:s4] =	ssyncadd.s32 $0xFFFF0000  }
0x65: {  	[tilespmem:s3], [sflag:$0x2] =	stream.linear.gather [hbm4b:s13+s3], $0x200, $0x38;
	[tilespmem:$0x10200] =	vst v63  }
0x66: {  	_ =	swait.ge [sflag:s4], $0x200  }
0x67: {  	[sflag:s4] =	ssyncset.done $0x0  }
0x68: {  	[sflag:s4] =	ssyncadd.s32 $0xFFFFFE00  }
0x69: {  	[tilespmem:s5], [sflag:$0x1] =	stream.indirect.gather [hbm4b:s2+s5], $0x80, s3, s5, $0xb8;
	[tilespmem:$0x10200] =	vst v63  }
0x6a: {  	_ =	swait.ge [sflag:s6], $0x10000  }
0x6b: {  	s14 =	sshll.u32 s14, $0x4;
	[sflag:s6] =	ssyncset.done $0x0  }
0x6c: {  	s14 =	sadd.s32 s0, s14;
	[sflag:s6] =	ssyncadd.s32 $0xFFFF0000  }
0x6d: {  	[hbm4b:s14+s3] =	stream.linear.scatter [tilespmem:s5], [sflag:$0x2], $0x10000, $0x38;
	[tilespmem:$0x10200] =	vst v63  }
0x6e: {  	s16 =	sor.u32 $0x1000, s30;
	_ =	swait.ge [sflag:s4], $0x10000  }
0x6f: {  	s15 =	sshrl.u32 s16, $0x3;
	[sflag:s4] =	ssyncset.done $0x0  }
0x70: {  	s15 =	sadd.s32 s31, s15;
	[sflag:s4] =	ssyncadd.s32 $0xFFFF0000  }
0x71: {  	[tilespmem:s3], [sflag:$0x2] =	stream.linear.gather [hbm4b:s15+s3], $0x200, $0x38;
	[tilespmem:$0x10200] =	vst v63  }
0x72: {  	_ =	swait.ge [sflag:s4], $0x200  }
0x73: {  	[sflag:s4] =	ssyncset.done $0x0  }
0x74: {  	[sflag:s4] =	ssyncadd.s32 $0xFFFFFE00  }
0x75: {  	[tilespmem:s5], [sflag:$0x1] =	stream.indirect.gather [hbm4b:s2+s5], $0x80, s3, s5, $0xb8;
	[tilespmem:$0x10200] =	vst v63  }
0x76: {  	_ =	swait.ge [sflag:s6], $0x10000  }
0x77: {  	s16 =	sshll.u32 s16, $0x4;
	[sflag:s6] =	ssyncset.done $0x0  }
0x78: {  	s16 =	sadd.s32 s0, s16;
	[sflag:s6] =	ssyncadd.s32 $0xFFFF0000  }
0x79: {  	[hbm4b:s16+s3] =	stream.linear.scatter [tilespmem:s5], [sflag:$0x2], $0x10000, $0x38;
	[tilespmem:$0x10200] =	vst v63  }
0x7a: {  	s18 =	sor.u32 $0x1200, s30;
	_ =	swait.ge [sflag:s4], $0x10000  }
0x7b: {  	s17 =	sshrl.u32 s18, $0x3;
	[sflag:s4] =	ssyncset.done $0x0  }
0x7c: {  	s17 =	sadd.s32 s31, s17;
	[sflag:s4] =	ssyncadd.s32 $0xFFFF0000  }
0x7d: {  	[tilespmem:s3], [sflag:$0x2] =	stream.linear.gather [hbm4b:s17+s3], $0x200, $0x38;
	[tilespmem:$0x10200] =	vst v63  }
0x7e: {  	_ =	swait.ge [sflag:s4], $0x200  }
0x7f: {  	[sflag:s4] =	ssyncset.done $0x0  }
0x80: {  	[sflag:s4] =	ssyncadd.s32 $0xFFFFFE00  }
0x81: {  	[tilespmem:s5], [sflag:$0x1] =	stream.indirect.gather [hbm4b:s2+s5], $0x80, s3, s5, $0xb8;
	[tilespmem:$0x10200] =	vst v63  }
0x82: {  	_ =	swait.ge [sflag:s6], $0x10000  }
0x83: {  	s18 =	sshll.u32 s18, $0x4;
	[sflag:s6] =	ssyncset.done $0x0  }
0x84: {  	s18 =	sadd.s32 s0, s18;
	[sflag:s6] =	ssyncadd.s32 $0xFFFF0000  }
0x85: {  	[hbm4b:s18+s3] =	stream.linear.scatter [tilespmem:s5], [sflag:$0x2], $0x10000, $0x38;
	[tilespmem:$0x10200] =	vst v63  }
0x86: {  	s20 =	sor.u32 $0x1400, s30;
	_ =	swait.ge [sflag:s4], $0x10000  }
0x87: {  	s19 =	sshrl.u32 s20, $0x3;
	[sflag:s4] =	ssyncset.done $0x0  }
0x88: {  	s19 =	sadd.s32 s31, s19;
	[sflag:s4] =	ssyncadd.s32 $0xFFFF0000  }
0x89: {  	[tilespmem:s3], [sflag:$0x2] =	stream.linear.gather [hbm4b:s19+s3], $0x200, $0x38;
	[tilespmem:$0x10200] =	vst v63  }
0x8a: {  	_ =	swait.ge [sflag:s4], $0x200  }
0x8b: {  	[sflag:s4] =	ssyncset.done $0x0  }
0x8c: {  	[sflag:s4] =	ssyncadd.s32 $0xFFFFFE00  }
0x8d: {  	[tilespmem:s5], [sflag:$0x1] =	stream.indirect.gather [hbm4b:s2+s5], $0x80, s3, s5, $0xb8;
	[tilespmem:$0x10200] =	vst v63  }
0x8e: {  	_ =	swait.ge [sflag:s6], $0x10000  }
0x8f: {  	s20 =	sshll.u32 s20, $0x4;
	[sflag:s6] =	ssyncset.done $0x0  }
0x90: {  	s20 =	sadd.s32 s0, s20;
	[sflag:s6] =	ssyncadd.s32 $0xFFFF0000  }
0x91: {  	[hbm4b:s20+s3] =	stream.linear.scatter [tilespmem:s5], [sflag:$0x2], $0x10000, $0x38;
	[tilespmem:$0x10200] =	vst v63  }
0x92: {  	s22 =	sor.u32 $0x1600, s30;
	_ =	swait.ge [sflag:s4], $0x10000  }
0x93: {  	s21 =	sshrl.u32 s22, $0x3;
	[sflag:s4] =	ssyncset.done $0x0  }
0x94: {  	s21 =	sadd.s32 s31, s21;
	[sflag:s4] =	ssyncadd.s32 $0xFFFF0000  }
0x95: {  	[tilespmem:s3], [sflag:$0x2] =	stream.linear.gather [hbm4b:s21+s3], $0x200, $0x38;
	[tilespmem:$0x10200] =	vst v63  }
0x96: {  	_ =	swait.ge [sflag:s4], $0x200  }
0x97: {  	[sflag:s4] =	ssyncset.done $0x0  }
0x98: {  	[sflag:s4] =	ssyncadd.s32 $0xFFFFFE00  }
0x99: {  	[tilespmem:s5], [sflag:$0x1] =	stream.indirect.gather [hbm4b:s2+s5], $0x80, s3, s5, $0xb8;
	[tilespmem:$0x10200] =	vst v63  }
0x9a: {  	_ =	swait.ge [sflag:s6], $0x10000  }
0x9b: {  	s22 =	sshll.u32 s22, $0x4;
	[sflag:s6] =	ssyncset.done $0x0  }
0x9c: {  	s22 =	sadd.s32 s0, s22;
	[sflag:s6] =	ssyncadd.s32 $0xFFFF0000  }
0x9d: {  	[hbm4b:s22+s3] =	stream.linear.scatter [tilespmem:s5], [sflag:$0x2], $0x10000, $0x38;
	[tilespmem:$0x10200] =	vst v63  }
0x9e: {  	s24 =	sor.u32 $0x1800, s30;
	_ =	swait.ge [sflag:s4], $0x10000  }
0x9f: {  	s23 =	sshrl.u32 s24, $0x3;
	[sflag:s4] =	ssyncset.done $0x0  }
0xa0: {  	s23 =	sadd.s32 s31, s23;
	[sflag:s4] =	ssyncadd.s32 $0xFFFF0000  }
0xa1: {  	[tilespmem:s3], [sflag:$0x2] =	stream.linear.gather [hbm4b:s23+s3], $0x200, $0x38;
	[tilespmem:$0x10200] =	vst v63  }
0xa2: {  	_ =	swait.ge [sflag:s4], $0x200  }
0xa3: {  	[sflag:s4] =	ssyncset.done $0x0  }
0xa4: {  	[sflag:s4] =	ssyncadd.s32 $0xFFFFFE00  }
0xa5: {  	[tilespmem:s5], [sflag:$0x1] =	stream.indirect.gather [hbm4b:s2+s5], $0x80, s3, s5, $0xb8;
	[tilespmem:$0x10200] =	vst v63  }
0xa6: {  	_ =	swait.ge [sflag:s6], $0x10000  }
0xa7: {  	s24 =	sshll.u32 s24, $0x4;
	[sflag:s6] =	ssyncset.done $0x0  }
0xa8: {  	s24 =	sadd.s32 s0, s24;
	[sflag:s6] =	ssyncadd.s32 $0xFFFF0000  }
0xa9: {  	[hbm4b:s24+s3] =	stream.linear.scatter [tilespmem:s5], [sflag:$0x2], $0x10000, $0x38;
	[tilespmem:$0x10200] =	vst v63  }
0xaa: {  	s26 =	sor.u32 $0x1A00, s30;
	_ =	swait.ge [sflag:s4], $0x10000  }
0xab: {  	s25 =	sshrl.u32 s26, $0x3;
	[sflag:s4] =	ssyncset.done $0x0  }
0xac: {  	s25 =	sadd.s32 s31, s25;
	[sflag:s4] =	ssyncadd.s32 $0xFFFF0000  }
0xad: {  	[tilespmem:s3], [sflag:$0x2] =	stream.linear.gather [hbm4b:s25+s3], $0x200, $0x38;
	[tilespmem:$0x10200] =	vst v63  }
0xae: {  	_ =	swait.ge [sflag:s4], $0x200  }
0xaf: {  	[sflag:s4] =	ssyncset.done $0x0  }
0xb0: {  	[sflag:s4] =	ssyncadd.s32 $0xFFFFFE00  }
0xb1: {  	[tilespmem:s5], [sflag:$0x1] =	stream.indirect.gather [hbm4b:s2+s5], $0x80, s3, s5, $0xb8;
	[tilespmem:$0x10200] =	vst v63  }
0xb2: {  	_ =	swait.ge [sflag:s6], $0x10000  }
0xb3: {  	s26 =	sshll.u32 s26, $0x4;
	[sflag:s6] =	ssyncset.done $0x0  }
0xb4: {  	s26 =	sadd.s32 s0, s26;
	[dreg:$0xc] =	wrdreg s0;
	[sflag:s6] =	ssyncadd.s32 $0xFFFF0000  }
0xb5: {  	[hbm4b:s26+s3] =	stream.linear.scatter [tilespmem:s5], [sflag:$0x2], $0x10000, $0x38;
	[tilespmem:$0x10200] =	vst v63  }
0xb6: {  	s29 =	sor.u32 $0x1C00, s30;
	_ =	swait.ge [sflag:s4], $0x10000  }
0xb7: {  	s28 =	sshrl.u32 s29, $0x3;
	[sflag:s4] =	ssyncset.done $0x0  }
0xb8: {  	s28 =	sadd.s32 s31, s28;
	[sflag:s4] =	ssyncadd.s32 $0xFFFF0000  }
0xb9: {  	[tilespmem:s3], [sflag:$0x2] =	stream.linear.gather [hbm4b:s28+s3], $0x200, $0x38;
	[tilespmem:$0x10200] =	vst v63  }
0xba: {  	_ =	swait.ge [sflag:s4], $0x200  }
0xbb: {  	[sflag:s4] =	ssyncset.done $0x0  }
0xbc: {  	[sflag:s4] =	ssyncadd.s32 $0xFFFFFE00  }
0xbd: {  	[tilespmem:s5], [sflag:$0x1] =	stream.indirect.gather [hbm4b:s2+s5], $0x80, s3, s5, $0xb8;
	[tilespmem:$0x10200] =	vst v63  }
0xbe: {  	_ =	swait.ge [sflag:s6], $0x10000  }
0xbf: {  	s29 =	sshll.u32 s29, $0x4;
	[sflag:s6] =	ssyncset.done $0x0  }
0xc0: {  	s29 =	sadd.s32 s0, s29;
	[sflag:s6] =	ssyncadd.s32 $0xFFFF0000  }
0xc1: {  	[hbm4b:s29+s3] =	stream.linear.scatter [tilespmem:s5], [sflag:$0x2], $0x10000, $0x38;
	[tilespmem:$0x10200] =	vst v63  }
0xc2: {  	s0 =	sor.u32 $0x1E00, s30;
	_ =	swait.ge [sflag:s4], $0x10000  }
0xc3: {  	s1 =	ssub.s32 $0x2, s1;
	s30 =	sshrl.u32 s0, $0x3;
	[sflag:s4] =	ssyncset.done $0x0  }
0xc4: {  	s30 =	sadd.s32 s31, s30;
	s31 =	sshrl.u32 s1, $0x1;
	[sflag:s4] =	ssyncadd.s32 $0xFFFF0000  }
0xc5: {  	[tilespmem:s3], [sflag:$0x2] =	stream.linear.gather [hbm4b:s30+s3], $0x200, $0x38;
	[tilespmem:$0x10200] =	vst v63  }
0xc6: {  	s1 =	ssub.s32 s1, s31;
	_ =	swait.ge [sflag:s4], $0x200  }
0xc7: {  	s1 =	smax.u32 s1, $0x1;
	[sflag:s4] =	ssyncset.done $0x0  }
0xc8: {  	p0 =	sne.s32 s1, $0x1;
	[sflag:s4] =	ssyncadd.s32 $0xFFFFFE00  }
0xc9: {  	[tilespmem:s5], [sflag:$0x1] =	stream.indirect.gather [hbm4b:s2+s5], $0x80, s3, s5, $0xb8;
	[tilespmem:$0x10200] =	vst v63  }
.Ltmp0:
0xca: {  	_ =	swait.ge [sflag:s6], $0x10000;
	(pc) =	sbr.rel @!p0 .LBB2_2-.Ltmp0, $4  }
0xcb: {  	s0 =	sshll.u32 s0, $0x4;
	[sflag:s6] =	ssyncset.done $0x0;
	s31 =	rddreg [dreg:$0xc]  }
0xcc: {  	s31 =	sadd.s32 s31, s0;
	[sflag:s6] =	ssyncadd.s32 $0xFFFF0000  }
0xcd: {  	[hbm4b:s31+s3] =	stream.linear.scatter [tilespmem:s5], [sflag:$0x2], $0x10000, $0x38;
	[tilespmem:$0x10200] =	vst v63  }
0xce: {  	s0 =	sadd.s32 $0xFFFFFFFF, s1;
	_ =	swait.ge [sflag:s4], $0x10000  }
.LBB2_1:
0xcf: {  	[sflag:s4] =	ssyncset.done $0x0  }
0xd0: {  	s1 =	rddreg [dreg:$0x4];
	[sflag:s4] =	ssyncadd.s32 $0xFFFF0000  }
0xd1: {  	[tilespmem:s3], [sflag:$0x2] =	stream.linear.gather [hbm4b:s1+s3], $0x200, $0x38;
	[tilespmem:$0x10200] =	vst v63  }
0xd2: {  	_ =	swait.ge [sflag:s4], $0x200  }
0xd3: {  	[sflag:s4] =	ssyncset.done $0x0  }
0xd4: {  	[sflag:s4] =	ssyncadd.s32 $0xFFFFFE00  }
0xd5: {  	[tilespmem:s5], [sflag:$0x1] =	stream.indirect.gather [hbm4b:s2+s5], $0x80, s3, s5, $0xb8;
	[tilespmem:$0x10200] =	vst v63  }
0xd6: {  	_ =	swait.ge [sflag:s6], $0x10000  }
0xd7: {  	[sflag:s6] =	ssyncset.done $0x0  }
0xd8: {  	s1 =	rddreg [dreg:$0x5];
	[sflag:s6] =	ssyncadd.s32 $0xFFFF0000  }
0xd9: {  	[hbm4b:s1+s3] =	stream.linear.scatter [tilespmem:s5], [sflag:$0x2], $0x10000, $0x38;
	[tilespmem:$0x10200] =	vst v63  }
0xda: {  	_ =	swait.ge [sflag:s4], $0x10000  }
0xdb: {  	[sflag:s4] =	ssyncset.done $0x0  }
0xdc: {  	s1 =	rddreg [dreg:$0x6];
	[sflag:s4] =	ssyncadd.s32 $0xFFFF0000  }
0xdd: {  	[tilespmem:s3], [sflag:$0x2] =	stream.linear.gather [hbm4b:s1+s3], $0x200, $0x38;
	[tilespmem:$0x10200] =	vst v63  }
0xde: {  	_ =	swait.ge [sflag:s4], $0x200  }
0xdf: {  	[sflag:s4] =	ssyncset.done $0x0  }
0xe0: {  	[sflag:s4] =	ssyncadd.s32 $0xFFFFFE00  }
0xe1: {  	[tilespmem:s5], [sflag:$0x1] =	stream.indirect.gather [hbm4b:s2+s5], $0x80, s3, s5, $0xb8;
	[tilespmem:$0x10200] =	vst v63  }
0xe2: {  	_ =	swait.ge [sflag:s6], $0x10000  }
0xe3: {  	[sflag:s6] =	ssyncset.done $0x0  }
0xe4: {  	s1 =	rddreg [dreg:$0x7];
	[sflag:s6] =	ssyncadd.s32 $0xFFFF0000  }
0xe5: {  	[hbm4b:s1+s3] =	stream.linear.scatter [tilespmem:s5], [sflag:$0x2], $0x10000, $0x38;
	[tilespmem:$0x10200] =	vst v63  }
0xe6: {  	_ =	swait.ge [sflag:s4], $0x10000  }
0xe7: {  	[sflag:s4] =	ssyncset.done $0x0  }
0xe8: {  	s1 =	rddreg [dreg:$0x8];
	[sflag:s4] =	ssyncadd.s32 $0xFFFF0000  }
0xe9: {  	[tilespmem:s3], [sflag:$0x2] =	stream.linear.gather [hbm4b:s1+s3], $0x200, $0x38;
	[tilespmem:$0x10200] =	vst v63  }
0xea: {  	_ =	swait.ge [sflag:s4], $0x200  }
0xeb: {  	[sflag:s4] =	ssyncset.done $0x0  }
0xec: {  	[sflag:s4] =	ssyncadd.s32 $0xFFFFFE00  }
0xed: {  	[tilespmem:s5], [sflag:$0x1] =	stream.indirect.gather [hbm4b:s2+s5], $0x80, s3, s5, $0xb8;
	[tilespmem:$0x10200] =	vst v63  }
0xee: {  	_ =	swait.ge [sflag:s6], $0x10000  }
0xef: {  	[sflag:s6] =	ssyncset.done $0x0  }
0xf0: {  	s1 =	rddreg [dreg:$0x9];
	[sflag:s6] =	ssyncadd.s32 $0xFFFF0000  }
0xf1: {  	[hbm4b:s1+s3] =	stream.linear.scatter [tilespmem:s5], [sflag:$0x2], $0x10000, $0x38;
	[tilespmem:$0x10200] =	vst v63  }
0xf2: {  	_ =	swait.ge [sflag:s4], $0x10000  }
0xf3: {  	[sflag:s4] =	ssyncset.done $0x0  }
0xf4: {  	s1 =	rddreg [dreg:$0xa];
	[sflag:s4] =	ssyncadd.s32 $0xFFFF0000  }
0xf5: {  	[tilespmem:s3], [sflag:$0x2] =	stream.linear.gather [hbm4b:s1+s3], $0x200, $0x38;
	[tilespmem:$0x10200] =	vst v63  }
0xf6: {  	_ =	swait.ge [sflag:s4], $0x200  }
0xf7: {  	[sflag:s4] =	ssyncset.done $0x0  }
0xf8: {  	[sflag:s4] =	ssyncadd.s32 $0xFFFFFE00  }
0xf9: {  	[tilespmem:s5], [sflag:$0x1] =	stream.indirect.gather [hbm4b:s2+s5], $0x80, s3, s5, $0xb8;
	[tilespmem:$0x10200] =	vst v63  }
0xfa: {  	_ =	swait.ge [sflag:s6], $0x10000  }
0xfb: {  	[sflag:s6] =	ssyncset.done $0x0  }
0xfc: {  	s1 =	rddreg [dreg:$0xb];
	[sflag:s6] =	ssyncadd.s32 $0xFFFF0000  }
0xfd: {  	[hbm4b:s1+s3] =	stream.linear.scatter [tilespmem:s5], [sflag:$0x2], $0x10000, $0x38;
	[tilespmem:$0x10200] =	vst v63  }
0xfe: {  	_ =	swait.ge [sflag:s4], $0x10000  }
0xff: {  	[sflag:s4] =	ssyncset.done $0x0  }
0x100: {  	[sflag:s4] =	ssyncadd.s32 $0xFFFF0000  }
0x101: {  	[tilespmem:s3], [sflag:$0x2] =	stream.linear.gather [hbm4b:s7+s3], $0x200, $0x38;
	[tilespmem:$0x10200] =	vst v63  }
0x102: {  	_ =	swait.ge [sflag:s4], $0x200  }
0x103: {  	[sflag:s4] =	ssyncset.done $0x0  }
0x104: {  	[sflag:s4] =	ssyncadd.s32 $0xFFFFFE00  }
0x105: {  	[tilespmem:s5], [sflag:$0x1] =	stream.indirect.gather [hbm4b:s2+s5], $0x80, s3, s5, $0xb8;
	[tilespmem:$0x10200] =	vst v63  }
0x106: {  	_ =	swait.ge [sflag:s6], $0x10000  }
0x107: {  	[sflag:s6] =	ssyncset.done $0x0  }
0x108: {  	[sflag:s6] =	ssyncadd.s32 $0xFFFF0000  }
0x109: {  	[hbm4b:s8+s3] =	stream.linear.scatter [tilespmem:s5], [sflag:$0x2], $0x10000, $0x38;
	[tilespmem:$0x10200] =	vst v63  }
0x10a: {  	_ =	swait.ge [sflag:s4], $0x10000  }
0x10b: {  	[sflag:s4] =	ssyncset.done $0x0  }
0x10c: {  	[sflag:s4] =	ssyncadd.s32 $0xFFFF0000  }
0x10d: {  	[tilespmem:s3], [sflag:$0x2] =	stream.linear.gather [hbm4b:s9+s3], $0x200, $0x38;
	[tilespmem:$0x10200] =	vst v63  }
0x10e: {  	_ =	swait.ge [sflag:s4], $0x200  }
0x10f: {  	[sflag:s4] =	ssyncset.done $0x0  }
0x110: {  	[sflag:s4] =	ssyncadd.s32 $0xFFFFFE00  }
0x111: {  	[tilespmem:s5], [sflag:$0x1] =	stream.indirect.gather [hbm4b:s2+s5], $0x80, s3, s5, $0xb8;
	[tilespmem:$0x10200] =	vst v63  }
0x112: {  	_ =	swait.ge [sflag:s6], $0x10000  }
0x113: {  	[sflag:s6] =	ssyncset.done $0x0  }
0x114: {  	[sflag:s6] =	ssyncadd.s32 $0xFFFF0000  }
0x115: {  	[hbm4b:s10+s3] =	stream.linear.scatter [tilespmem:s5], [sflag:$0x2], $0x10000, $0x38;
	[tilespmem:$0x10200] =	vst v63  }
0x116: {  	_ =	swait.ge [sflag:s4], $0x10000  }
0x117: {  	[sflag:s4] =	ssyncset.done $0x0  }
0x118: {  	[sflag:s4] =	ssyncadd.s32 $0xFFFF0000  }
0x119: {  	[tilespmem:s3], [sflag:$0x2] =	stream.linear.gather [hbm4b:s11+s3], $0x200, $0x38;
	[tilespmem:$0x10200] =	vst v63  }
0x11a: {  	_ =	swait.ge [sflag:s4], $0x200  }
0x11b: {  	[sflag:s4] =	ssyncset.done $0x0  }
0x11c: {  	[sflag:s4] =	ssyncadd.s32 $0xFFFFFE00  }
0x11d: {  	[tilespmem:s5], [sflag:$0x1] =	stream.indirect.gather [hbm4b:s2+s5], $0x80, s3, s5, $0xb8;
	[tilespmem:$0x10200] =	vst v63  }
0x11e: {  	_ =	swait.ge [sflag:s6], $0x10000  }
0x11f: {  	[sflag:s6] =	ssyncset.done $0x0  }
0x120: {  	[sflag:s6] =	ssyncadd.s32 $0xFFFF0000  }
0x121: {  	[hbm4b:s12+s3] =	stream.linear.scatter [tilespmem:s5], [sflag:$0x2], $0x10000, $0x38;
	[tilespmem:$0x10200] =	vst v63  }
0x122: {  	_ =	swait.ge [sflag:s4], $0x10000  }
0x123: {  	[sflag:s4] =	ssyncset.done $0x0  }
0x124: {  	[sflag:s4] =	ssyncadd.s32 $0xFFFF0000  }
0x125: {  	[tilespmem:s3], [sflag:$0x2] =	stream.linear.gather [hbm4b:s13+s3], $0x200, $0x38;
	[tilespmem:$0x10200] =	vst v63  }
0x126: {  	_ =	swait.ge [sflag:s4], $0x200  }
0x127: {  	[sflag:s4] =	ssyncset.done $0x0  }
0x128: {  	[sflag:s4] =	ssyncadd.s32 $0xFFFFFE00  }
0x129: {  	[tilespmem:s5], [sflag:$0x1] =	stream.indirect.gather [hbm4b:s2+s5], $0x80, s3, s5, $0xb8;
	[tilespmem:$0x10200] =	vst v63  }
0x12a: {  	_ =	swait.ge [sflag:s6], $0x10000  }
0x12b: {  	[sflag:s6] =	ssyncset.done $0x0  }
0x12c: {  	[sflag:s6] =	ssyncadd.s32 $0xFFFF0000  }
0x12d: {  	[hbm4b:s14+s3] =	stream.linear.scatter [tilespmem:s5], [sflag:$0x2], $0x10000, $0x38;
	[tilespmem:$0x10200] =	vst v63  }
0x12e: {  	_ =	swait.ge [sflag:s4], $0x10000  }
0x12f: {  	[sflag:s4] =	ssyncset.done $0x0  }
0x130: {  	[sflag:s4] =	ssyncadd.s32 $0xFFFF0000  }
0x131: {  	[tilespmem:s3], [sflag:$0x2] =	stream.linear.gather [hbm4b:s15+s3], $0x200, $0x38;
	[tilespmem:$0x10200] =	vst v63  }
0x132: {  	_ =	swait.ge [sflag:s4], $0x200  }
0x133: {  	[sflag:s4] =	ssyncset.done $0x0  }
0x134: {  	[sflag:s4] =	ssyncadd.s32 $0xFFFFFE00  }
0x135: {  	[tilespmem:s5], [sflag:$0x1] =	stream.indirect.gather [hbm4b:s2+s5], $0x80, s3, s5, $0xb8;
	[tilespmem:$0x10200] =	vst v63  }
0x136: {  	_ =	swait.ge [sflag:s6], $0x10000  }
0x137: {  	[sflag:s6] =	ssyncset.done $0x0  }
0x138: {  	[sflag:s6] =	ssyncadd.s32 $0xFFFF0000  }
0x139: {  	[hbm4b:s16+s3] =	stream.linear.scatter [tilespmem:s5], [sflag:$0x2], $0x10000, $0x38;
	[tilespmem:$0x10200] =	vst v63  }
0x13a: {  	_ =	swait.ge [sflag:s4], $0x10000  }
0x13b: {  	[sflag:s4] =	ssyncset.done $0x0  }
0x13c: {  	[sflag:s4] =	ssyncadd.s32 $0xFFFF0000  }
0x13d: {  	[tilespmem:s3], [sflag:$0x2] =	stream.linear.gather [hbm4b:s17+s3], $0x200, $0x38;
	[tilespmem:$0x10200] =	vst v63  }
0x13e: {  	_ =	swait.ge [sflag:s4], $0x200  }
0x13f: {  	[sflag:s4] =	ssyncset.done $0x0  }
0x140: {  	[sflag:s4] =	ssyncadd.s32 $0xFFFFFE00  }
0x141: {  	[tilespmem:s5], [sflag:$0x1] =	stream.indirect.gather [hbm4b:s2+s5], $0x80, s3, s5, $0xb8;
	[tilespmem:$0x10200] =	vst v63  }
0x142: {  	_ =	swait.ge [sflag:s6], $0x10000  }
0x143: {  	[sflag:s6] =	ssyncset.done $0x0  }
0x144: {  	[sflag:s6] =	ssyncadd.s32 $0xFFFF0000  }
0x145: {  	[hbm4b:s18+s3] =	stream.linear.scatter [tilespmem:s5], [sflag:$0x2], $0x10000, $0x38;
	[tilespmem:$0x10200] =	vst v63  }
0x146: {  	_ =	swait.ge [sflag:s4], $0x10000  }
0x147: {  	[sflag:s4] =	ssyncset.done $0x0  }
0x148: {  	[sflag:s4] =	ssyncadd.s32 $0xFFFF0000  }
0x149: {  	[tilespmem:s3], [sflag:$0x2] =	stream.linear.gather [hbm4b:s19+s3], $0x200, $0x38;
	[tilespmem:$0x10200] =	vst v63  }
0x14a: {  	_ =	swait.ge [sflag:s4], $0x200  }
0x14b: {  	[sflag:s4] =	ssyncset.done $0x0  }
0x14c: {  	[sflag:s4] =	ssyncadd.s32 $0xFFFFFE00  }
0x14d: {  	[tilespmem:s5], [sflag:$0x1] =	stream.indirect.gather [hbm4b:s2+s5], $0x80, s3, s5, $0xb8;
	[tilespmem:$0x10200] =	vst v63  }
0x14e: {  	_ =	swait.ge [sflag:s6], $0x10000  }
0x14f: {  	[sflag:s6] =	ssyncset.done $0x0  }
0x150: {  	[sflag:s6] =	ssyncadd.s32 $0xFFFF0000  }
0x151: {  	[hbm4b:s20+s3] =	stream.linear.scatter [tilespmem:s5], [sflag:$0x2], $0x10000, $0x38;
	[tilespmem:$0x10200] =	vst v63  }
0x152: {  	_ =	swait.ge [sflag:s4], $0x10000  }
0x153: {  	[sflag:s4] =	ssyncset.done $0x0  }
0x154: {  	[sflag:s4] =	ssyncadd.s32 $0xFFFF0000  }
0x155: {  	[tilespmem:s3], [sflag:$0x2] =	stream.linear.gather [hbm4b:s21+s3], $0x200, $0x38;
	[tilespmem:$0x10200] =	vst v63  }
0x156: {  	_ =	swait.ge [sflag:s4], $0x200  }
0x157: {  	[sflag:s4] =	ssyncset.done $0x0  }
0x158: {  	[sflag:s4] =	ssyncadd.s32 $0xFFFFFE00  }
0x159: {  	[tilespmem:s5], [sflag:$0x1] =	stream.indirect.gather [hbm4b:s2+s5], $0x80, s3, s5, $0xb8;
	[tilespmem:$0x10200] =	vst v63  }
0x15a: {  	_ =	swait.ge [sflag:s6], $0x10000  }
0x15b: {  	[sflag:s6] =	ssyncset.done $0x0  }
0x15c: {  	[sflag:s6] =	ssyncadd.s32 $0xFFFF0000  }
0x15d: {  	[hbm4b:s22+s3] =	stream.linear.scatter [tilespmem:s5], [sflag:$0x2], $0x10000, $0x38;
	[tilespmem:$0x10200] =	vst v63  }
0x15e: {  	_ =	swait.ge [sflag:s4], $0x10000  }
0x15f: {  	[sflag:s4] =	ssyncset.done $0x0  }
0x160: {  	[sflag:s4] =	ssyncadd.s32 $0xFFFF0000  }
0x161: {  	[tilespmem:s3], [sflag:$0x2] =	stream.linear.gather [hbm4b:s23+s3], $0x200, $0x38;
	[tilespmem:$0x10200] =	vst v63  }
0x162: {  	_ =	swait.ge [sflag:s4], $0x200  }
0x163: {  	[sflag:s4] =	ssyncset.done $0x0  }
0x164: {  	[sflag:s4] =	ssyncadd.s32 $0xFFFFFE00  }
0x165: {  	[tilespmem:s5], [sflag:$0x1] =	stream.indirect.gather [hbm4b:s2+s5], $0x80, s3, s5, $0xb8;
	[tilespmem:$0x10200] =	vst v63  }
0x166: {  	_ =	swait.ge [sflag:s6], $0x10000  }
0x167: {  	[sflag:s6] =	ssyncset.done $0x0  }
0x168: {  	[sflag:s6] =	ssyncadd.s32 $0xFFFF0000  }
0x169: {  	[hbm4b:s24+s3] =	stream.linear.scatter [tilespmem:s5], [sflag:$0x2], $0x10000, $0x38;
	[tilespmem:$0x10200] =	vst v63  }
0x16a: {  	_ =	swait.ge [sflag:s4], $0x10000  }
0x16b: {  	[sflag:s4] =	ssyncset.done $0x0  }
0x16c: {  	[sflag:s4] =	ssyncadd.s32 $0xFFFF0000  }
0x16d: {  	[tilespmem:s3], [sflag:$0x2] =	stream.linear.gather [hbm4b:s25+s3], $0x200, $0x38;
	[tilespmem:$0x10200] =	vst v63  }
0x16e: {  	_ =	swait.ge [sflag:s4], $0x200  }
0x16f: {  	[sflag:s4] =	ssyncset.done $0x0  }
0x170: {  	[sflag:s4] =	ssyncadd.s32 $0xFFFFFE00  }
0x171: {  	[tilespmem:s5], [sflag:$0x1] =	stream.indirect.gather [hbm4b:s2+s5], $0x80, s3, s5, $0xb8;
	[tilespmem:$0x10200] =	vst v63  }
0x172: {  	_ =	swait.ge [sflag:s6], $0x10000  }
0x173: {  	[sflag:s6] =	ssyncset.done $0x0  }
0x174: {  	[sflag:s6] =	ssyncadd.s32 $0xFFFF0000  }
0x175: {  	[hbm4b:s26+s3] =	stream.linear.scatter [tilespmem:s5], [sflag:$0x2], $0x10000, $0x38;
	[tilespmem:$0x10200] =	vst v63  }
0x176: {  	_ =	swait.ge [sflag:s4], $0x10000  }
0x177: {  	[sflag:s4] =	ssyncset.done $0x0  }
0x178: {  	[sflag:s4] =	ssyncadd.s32 $0xFFFF0000  }
0x179: {  	[tilespmem:s3], [sflag:$0x2] =	stream.linear.gather [hbm4b:s28+s3], $0x200, $0x38;
	[tilespmem:$0x10200] =	vst v63  }
0x17a: {  	_ =	swait.ge [sflag:s4], $0x200  }
0x17b: {  	[sflag:s4] =	ssyncset.done $0x0  }
0x17c: {  	[sflag:s4] =	ssyncadd.s32 $0xFFFFFE00  }
0x17d: {  	[tilespmem:s5], [sflag:$0x1] =	stream.indirect.gather [hbm4b:s2+s5], $0x80, s3, s5, $0xb8;
	[tilespmem:$0x10200] =	vst v63  }
0x17e: {  	_ =	swait.ge [sflag:s6], $0x10000  }
0x17f: {  	[sflag:s6] =	ssyncset.done $0x0  }
0x180: {  	[sflag:s6] =	ssyncadd.s32 $0xFFFF0000  }
0x181: {  	[hbm4b:s29+s3] =	stream.linear.scatter [tilespmem:s5], [sflag:$0x2], $0x10000, $0x38;
	[tilespmem:$0x10200] =	vst v63  }
0x182: {  	_ =	swait.ge [sflag:s4], $0x10000  }
0x183: {  	[sflag:s4] =	ssyncset.done $0x0  }
0x184: {  	[sflag:s4] =	ssyncadd.s32 $0xFFFF0000  }
0x185: {  	[tilespmem:s3], [sflag:$0x2] =	stream.linear.gather [hbm4b:s30+s3], $0x200, $0x38;
	[tilespmem:$0x10200] =	vst v63  }
0x186: {  	_ =	swait.ge [sflag:s4], $0x200  }
0x187: {  	[sflag:s4] =	ssyncset.done $0x0  }
0x188: {  	p0 =	sne.s32 s0, $0x1;
	[sflag:s4] =	ssyncadd.s32 $0xFFFFFE00  }
0x189: {  	[tilespmem:s5], [sflag:$0x1] =	stream.indirect.gather [hbm4b:s2+s5], $0x80, s3, s5, $0xb8;
	[tilespmem:$0x10200] =	vst v63  }
.Ltmp1:
0x18a: {  	_ =	swait.ge [sflag:s6], $0x10000;
	(pc) =	sbr.rel @p0 .LBB2_1-.Ltmp1, $4  }
0x18b: {  	[sflag:s6] =	ssyncset.done $0x0  }
0x18c: {  	[sflag:s6] =	ssyncadd.s32 $0xFFFF0000  }
0x18d: {  	[hbm4b:s31+s3] =	stream.linear.scatter [tilespmem:s5], [sflag:$0x2], $0x10000, $0x38;
	[tilespmem:$0x10200] =	vst v63  }
0x18e: {  	s0 =	sadd.s32 $0xFFFFFFFF, s0;
	_ =	swait.ge [sflag:s4], $0x10000  }
.LBB2_2:
0x18f: {  	[sflag:s4] =	ssyncset.done $0x0  }
0x190: {  	[sflag:s4] =	ssyncadd.s32 $0xFFFF0000  }
0x191: {  	_ =	sfence.sel $0x180000  }
0x192: {  	[bflag:$0x0] =	sbarrier.arrive $0xFFFF  }
0x193: {  	_ =	strace $0x90000047  }
0x194: {  	s0 =	stileid.u32;
	[bflag:$0x2] =	sbarrier.arrive $0xFFFF  }
0x195: {  	p0 =	sne.s32 s0, $0x0;
	s0 =	rddreg [dreg:$0x3]  }
0x196: {  	s0 =	sadd.s32 @!p0 $0x100000, s0  }
0x197: {  	[sflag:s0] =	ssyncadd.tile.s32 @!p0 $0x1;
	_ =	shalt  }
.Lfunc_end2:
_tile_overlayer_lowered:
.L_overlay_start_2:
0x198: {  	(tag) =	ssettag $0x2  }
0x199: {  	s0 =	rddreg [dreg:$0x0];
	s2 =	stileid.u32  }
0x19a: {  	s1 =	rddreg [dreg:$0x1];
	p0 =	sne.s32 s2, $0x0  }
0x19b: {  	s3 =	rddreg [dreg:$0x2];
	[bflag:$0x3] =	sbarrier.arrive $0xFFFF;
	s2 =	simm.s32 @!p0 $0x1C02  }
0x19c: {  	[timem:s3], [sflag:s2] =	dma.local @!p0 [hbm:s0], s1  }
0x19d: {  	s0 =	simm.s32 @!p0 $0x2  }
0x19e: {  	_ =	swait.ge @!p0 [sflag:s0], s1  }
0x19f: {  	s1 =	ssub.s32 @!p0 $0x0, s1;
	[sflag:s0] =	ssyncset.done @!p0 $0x0  }
0x1a0: {  	[sflag:s0] =	ssyncadd.s32 @!p0 s1  }
0x1a1: {  	[bflag:$0x3] =	sbarrier.arrive $0xFFFF  }
0x1a2: {  	_ =	shalt  }

</sc_bundles>
